<compile_context>
chip_gen: v7x
topology: tpu7x:2x2x1
jax: 0.10.2.dev20260603
libtpu: 0.0.44.dev20260713+nightly
codegen_flags: <defaults>
</compile_context>

<pallas_src>
import functools

import jax
import jax.numpy as jnp
from jax import lax
from jax.experimental import pallas as pl
from jax.experimental.pallas import tpu as pltpu

NODE_NUM = 10000
N_PAD = 10240
INPUT_DIM = 128
EMBED_DIM = 128
TOPK = 16
BATCH = 2
M = BATCH * NODE_NUM
M_PAD = 20480

ROWS_A = 128
ROWS_A2 = 512
NEG = -1e30


def _sim_topk_body(w_blk_ref, w_all_ref, idx_ref):
    w_blk = w_blk_ref[...]
    w_all = w_all_ref[...]
    dot = lax.dot_general(w_blk, w_all, (((1,), (1,)), ((), ())),
                          preferred_element_type=jnp.float32)
    nrm_r = jnp.sqrt(jnp.sum(w_blk * w_blk, axis=1, keepdims=True))
    nrm_c = jnp.sqrt(jnp.sum(w_all * w_all, axis=1))[None, :]
    sim = dot / (nrm_r * nrm_c)
    col = lax.broadcasted_iota(jnp.int32, (ROWS_A, N_PAD), 1)
    sim = jnp.where(col < NODE_NUM, sim, NEG)
    cols = []
    for _ in range(TOPK):
        m = jnp.max(sim, axis=1, keepdims=True)
        idx = jnp.min(jnp.where(sim == m, col, jnp.int32(2**30)),
                      axis=1, keepdims=True)
        cols.append(idx)
        sim = jnp.where(col == idx, -jnp.inf, sim)
    idx_ref[...] = jnp.concatenate(cols, axis=1)


def _sim_topk(w_pad):
    grid = N_PAD // ROWS_A
    return pl.pallas_call(
        _sim_topk_body,
        grid=(grid,),
        in_specs=[
            pl.BlockSpec((ROWS_A, INPUT_DIM), lambda i: (i, 0)),
            pl.BlockSpec((N_PAD, INPUT_DIM), lambda i: (0, 0)),
        ],
        out_specs=pl.BlockSpec((ROWS_A, TOPK), lambda i: (i, 0)),
        out_shape=jax.ShapeDtypeStruct((N_PAD, TOPK), jnp.int32),
    )(w_pad, w_pad)


def _feat_body(x_ref, e_ref, w_ref, ase_ref, asz_ref, ade_ref, adz_ref,
               z_ref, ss_ref, sd_ref):
    x = x_ref[...]
    e = e_ref[...]
    z = lax.dot_general(x, w_ref[...], (((1,), (0,)), ((), ())),
                        preferred_element_type=jnp.float32)
    z_ref[...] = z
    ss_ref[...] = jnp.sum(e * ase_ref[...] + z * asz_ref[...],
                          axis=1, keepdims=True)
    sd_ref[...] = jnp.sum(e * ade_ref[...] + z * adz_ref[...],
                          axis=1, keepdims=True)


def _features(xf_pad, emb_b_pad, W, a_src, a_dst):
    grid = M_PAD // ROWS_A2
    vec = lambda v: v.reshape(1, EMBED_DIM)
    return pl.pallas_call(
        _feat_body,
        grid=(grid,),
        in_specs=[
            pl.BlockSpec((ROWS_A2, INPUT_DIM), lambda i: (i, 0)),
            pl.BlockSpec((ROWS_A2, EMBED_DIM), lambda i: (i, 0)),
            pl.BlockSpec((INPUT_DIM, EMBED_DIM), lambda i: (0, 0)),
            pl.BlockSpec((1, EMBED_DIM), lambda i: (0, 0)),
            pl.BlockSpec((1, EMBED_DIM), lambda i: (0, 0)),
            pl.BlockSpec((1, EMBED_DIM), lambda i: (0, 0)),
            pl.BlockSpec((1, EMBED_DIM), lambda i: (0, 0)),
        ],
        out_specs=[
            pl.BlockSpec((ROWS_A2, EMBED_DIM), lambda i: (i, 0)),
            pl.BlockSpec((ROWS_A2, 1), lambda i: (i, 0)),
            pl.BlockSpec((ROWS_A2, 1), lambda i: (i, 0)),
        ],
        out_shape=[
            jax.ShapeDtypeStruct((M_PAD, EMBED_DIM), jnp.float32),
            jax.ShapeDtypeStruct((M_PAD, 1), jnp.float32),
            jax.ShapeDtypeStruct((M_PAD, 1), jnp.float32),
        ],
    )(xf_pad, emb_b_pad, W, vec(a_src[:EMBED_DIM]), vec(a_src[EMBED_DIM:]),
      vec(a_dst[:EMBED_DIM]), vec(a_dst[EMBED_DIM:]))


def _message_passing_jax(topk_idx, s_src, s_dst, z):
    src = jnp.repeat(jnp.arange(NODE_NUM), TOPK)
    dst = topk_idx.reshape(-1)
    E = src.shape[0]
    offs = jnp.repeat(jnp.arange(BATCH), E) * NODE_NUM
    src_b = jnp.tile(src, BATCH) + offs
    dst_b = jnp.tile(dst, BATCH) + offs
    logits = jax.nn.leaky_relu(s_src[src_b, 0] + s_dst[dst_b, 0], 0.2)
    mx = jax.ops.segment_max(logits, dst_b, num_segments=M)
    mx = jnp.where(jnp.isneginf(mx), 0.0, mx)
    ex = jnp.exp(logits - mx[dst_b])
    denom = jax.ops.segment_sum(ex, dst_b, num_segments=M)
    y_raw = jax.ops.segment_sum(ex[:, None] * z[src_b], dst_b,
                                num_segments=M)
    dp = jnp.zeros((M, TOPK), jnp.float32).at[:, 0].set(denom)
    return y_raw, dp


def _tail_body(y_ref, dp_ref, e_ref, g1_ref, b1_ref, g2_ref, b2_ref,
               lw_ref, out_ref):
    y = y_ref[...]
    denom = jnp.sum(dp_ref[...], axis=1, keepdims=True)
    y = y / (denom + 1e-16)
    mean = jnp.mean(y, axis=0, keepdims=True)
    var = jnp.mean((y - mean) ** 2, axis=0, keepdims=True)
    y = (y - mean) / jnp.sqrt(var + 1e-5) * g1_ref[...] + b1_ref[...]
    y = jnp.maximum(y, 0.0)
    e = e_ref[...]
    y = jnp.concatenate([y[:NODE_NUM] * e, y[NODE_NUM:] * e], axis=0)
    mean = jnp.mean(y, axis=0, keepdims=True)
    var = jnp.mean((y - mean) ** 2, axis=0, keepdims=True)
    y = (y - mean) / jnp.sqrt(var + 1e-5) * g2_ref[...] + b2_ref[...]
    y = jnp.maximum(y, 0.0)
    out_ref[...] = jnp.sum(y * lw_ref[...], axis=1, keepdims=True)


def _tail(y_raw, denom_p, embedding, bn1_gamma, bn1_beta, bn2_gamma,
          bn2_beta, lin_w):
    vec = lambda v: v.reshape(1, EMBED_DIM)
    return pl.pallas_call(
        _tail_body,
        out_shape=jax.ShapeDtypeStruct((M, 1), jnp.float32),
    )(y_raw, denom_p, embedding, vec(bn1_gamma), vec(bn1_beta),
      vec(bn2_gamma), vec(bn2_beta), lin_w)


@jax.jit
def kernel(x, embedding, W, a_src, a_dst, bn1_gamma, bn1_beta,
           bn2_gamma, bn2_beta, lin_w, lin_b):
    w_pad = jnp.pad(embedding, ((0, N_PAD - NODE_NUM), (0, 0)))
    topk_idx = _sim_topk(w_pad)[:NODE_NUM]

    xf = x.reshape(M, INPUT_DIM)
    emb_b = jnp.tile(embedding, (BATCH, 1))
    pad_m = ((0, M_PAD - M), (0, 0))
    z, s_src, s_dst = _features(jnp.pad(xf, pad_m), jnp.pad(emb_b, pad_m),
                                W, a_src, a_dst)
    z, s_src, s_dst = z[:M], s_src[:M], s_dst[:M]

    y_raw, denom_p = _message_passing_jax(topk_idx, s_src, s_dst, z)

    out = _tail(y_raw, denom_p, embedding, bn1_gamma, bn1_beta,
                bn2_gamma, bn2_beta, lin_w)
    return out.reshape(BATCH, NODE_NUM) + lin_b[0]

# --- scband reference (transcript-rebuilt; emitter-appended) ---
"""Pipeline reference for scband-gdnmodel-2559800508824 (READ-ONLY COPY).

The authoritative reference and input builder live on the scoring server;
editing this copy changes nothing except your own understanding.
"""

import jax, jax.numpy as jnp
import numpy as np

NODE_NUM = 10000
INPUT_DIM = 128
EMBED_DIM = 128
TOPK = 16
BATCH = 2


def _batchnorm(y, gamma, beta, eps=1e-5):
    mean = y.mean(axis=0)
    var = y.var(axis=0)
    return (y - mean) / jnp.sqrt(var + eps) * gamma + beta


def _segment_softmax(logits, seg, num):
    mx = jax.ops.segment_max(logits, seg, num_segments=num)
    mx = jnp.where(jnp.isneginf(mx), 0.0, mx)
    ex = jnp.exp(logits - mx[seg])
    denom = jax.ops.segment_sum(ex, seg, num_segments=num)
    return ex / (denom[seg] + 1e-16)


def _forward(x, embedding, W, a_src, a_dst, bn1_gamma, bn1_beta, bn2_gamma, bn2_beta, lin_w, lin_b):
    B, N, Fdim = x.shape
    node_emb = jnp.take(embedding, jnp.arange(N), axis=0)
    # weight_vector = embedding.detach().clone()
    w = jax.lax.stop_gradient(node_emb)
    dot = w @ w.T
    nrm = jnp.linalg.norm(w, axis=-1).reshape(-1, 1)
    sim = dot / (nrm @ nrm.T)
    topk_idx = jax.lax.top_k(sim, TOPK)[1]
    # _get_topk_edge_indexs
    src = jnp.repeat(jnp.arange(N), TOPK)
    dst = topk_idx.reshape(-1)
    E = src.shape[0]
    # _get_batch_edge_index
    offs = jnp.repeat(jnp.arange(B), E) * N
    src_b = jnp.tile(src, B) + offs
    dst_b = jnp.tile(dst, B) + offs
    emb_b = jnp.tile(node_emb, (B, 1))
    xf = x.reshape(-1, Fdim)
    M = B * N
    # GraphAttentionFE (GDN-style graph attention layer)
    z = xf @ W
    g = jnp.concatenate([emb_b, z], axis=-1)
    logits = jax.nn.leaky_relu((g[src_b] * a_src).sum(-1) + (g[dst_b] * a_dst).sum(-1), 0.2)
    alpha = _segment_softmax(logits, dst_b, M)
    y = jax.ops.segment_sum(alpha[:, None] * z[src_b], dst_b, num_segments=M)
    y = jax.nn.relu(_batchnorm(y, bn1_gamma, bn1_beta))
    y = y * emb_b
    y = y.reshape(-1, EMBED_DIM)
    y = jax.nn.relu(_batchnorm(y, bn2_gamma, bn2_beta))
    # dropout: identity (eval mode)
    y = y @ lin_w.T + lin_b
    return y.reshape(B, N)


def setup_inputs(seed=0):
    key = jax.random.key(seed)
    ks = jax.random.split(key, 8)
    x = jax.random.normal(ks[0], (BATCH, NODE_NUM, INPUT_DIM), dtype=jnp.float32)
    bound = 1.0 / np.sqrt(EMBED_DIM)
    embedding = jax.random.uniform(ks[1], (NODE_NUM, EMBED_DIM), jnp.float32, -bound, bound)
    W = jax.random.normal(ks[2], (INPUT_DIM, EMBED_DIM), dtype=jnp.float32) / np.sqrt(INPUT_DIM)
    a_src = jax.random.normal(ks[3], (2 * EMBED_DIM,), dtype=jnp.float32) * 0.1
    a_dst = jax.random.normal(ks[4], (2 * EMBED_DIM,), dtype=jnp.float32) * 0.1
    lin_w = jax.random.normal(ks[5], (1, EMBED_DIM), dtype=jnp.float32) / np.sqrt(EMBED_DIM)
    lin_b = jnp.zeros((1,), dtype=jnp.float32)
    return {"x": x, "embedding": embedding, "W": W, "a_src": a_src, "a_dst": a_dst,
            "bn1_gamma": jnp.ones((EMBED_DIM,), jnp.float32), "bn1_beta": jnp.zeros((EMBED_DIM,), jnp.float32),
            "bn2_gamma": jnp.ones((EMBED_DIM,), jnp.float32), "bn2_beta": jnp.zeros((EMBED_DIM,), jnp.float32),
            "lin_w": lin_w, "lin_b": lin_b}


def reference(x, embedding, W, a_src, a_dst, bn1_gamma, bn1_beta, bn2_gamma, bn2_beta, lin_w, lin_b):
    return _forward(x, embedding, W, a_src, a_dst, bn1_gamma, bn1_beta, bn2_gamma, bn2_beta, lin_w, lin_b)

if __name__ == "__main__":
    import jax
    _d = setup_inputs()
    print(jax.jit(kernel)(*tuple(_d.values())))

</pallas_src>

<mosaic_0001>
module attributes {stable_mosaic.version = 14 : i64} {
  func.func @_feat_body(%arg0: i32, %arg1: memref<512x128xf32, #tpu.memory_space<vmem>>, %arg2: memref<512x128xf32, #tpu.memory_space<vmem>>, %arg3: memref<128x128xf32, #tpu.memory_space<vmem>>, %arg4: memref<1x128xf32, #tpu.memory_space<vmem>>, %arg5: memref<1x128xf32, #tpu.memory_space<vmem>>, %arg6: memref<1x128xf32, #tpu.memory_space<vmem>>, %arg7: memref<1x128xf32, #tpu.memory_space<vmem>>, %arg8: memref<512x128xf32, #tpu.memory_space<vmem>>, %arg9: memref<512x1xf32, #tpu.memory_space<vmem>>, %arg10: memref<512x1xf32, #tpu.memory_space<vmem>>) attributes {dimension_semantics = [#tpu.dimension_semantics<arbitrary>], iteration_bounds = array<i64: 40>, scalar_prefetch = 0 : i64, scratch_operands = 0 : i64, tpu.core_type = #tpu.core_type<tc>, window_params = [{transform_indices = @transform_0, window_bounds = array<i64: 512, 128>}, {transform_indices = @transform_1, window_bounds = array<i64: 512, 128>}, {pipeline_mode = #tpu.pipeline_mode<synchronous>, transform_indices = @transform_2, window_bounds = array<i64: 128, 128>}, {pipeline_mode = #tpu.pipeline_mode<synchronous>, transform_indices = @transform_3, window_bounds = array<i64: 1, 128>}, {pipeline_mode = #tpu.pipeline_mode<synchronous>, transform_indices = @transform_4, window_bounds = array<i64: 1, 128>}, {pipeline_mode = #tpu.pipeline_mode<synchronous>, transform_indices = @transform_5, window_bounds = array<i64: 1, 128>}, {pipeline_mode = #tpu.pipeline_mode<synchronous>, transform_indices = @transform_6, window_bounds = array<i64: 1, 128>}, {transform_indices = @transform_7, window_bounds = array<i64: 512, 128>}, {transform_indices = @transform_8, window_bounds = array<i64: 512, 1>}, {transform_indices = @transform_9, window_bounds = array<i64: 512, 1>}]} {
    %get3A = arith.constant 0 : index
    %get3A_0 = arith.constant 0 : index
    %get3A_1 = vector.load %arg1[%get3A, %get3A_0] : memref<512x128xf32, #tpu.memory_space<vmem>>, vector<512x128xf32>
    %get3A_2 = arith.constant 0 : index
    %get3A_3 = arith.constant 0 : index
    %get3A_4 = vector.load %arg2[%get3A_2, %get3A_3] : memref<512x128xf32, #tpu.memory_space<vmem>>, vector<512x128xf32>
    %get3A_5 = arith.constant 0 : index
    %get3A_6 = arith.constant 0 : index
    %get3A_7 = vector.load %arg3[%get3A_5, %get3A_6] : memref<128x128xf32, #tpu.memory_space<vmem>>, vector<128x128xf32>
    %dot_general3A = arith.constant dense<0.000000e+00> : vector<512x128xf32>
    %dot_general3A_8 = tpu.matmul %get3A_1, %get3A_7, %dot_general3A {dimension_numbers = #tpu.dot_dimension_numbers<[1], [0], [0], [1], [0, 0, 1, 1], [], []>, transpose_lhs_hint = false} : vector<512x128xf32>, vector<128x128xf32>, vector<512x128xf32> -> vector<512x128xf32>
    %swap3A = arith.constant 0 : index
    %swap3A_9 = arith.constant 0 : index
    %swap3A_10 = vector.load %arg8[%swap3A, %swap3A_9] : memref<512x128xf32, #tpu.memory_space<vmem>>, vector<512x128xf32>
    tpu.vector_store %arg8[%swap3A, %swap3A_9], %dot_general3A_8 {strides = array<i32>} : memref<512x128xf32, #tpu.memory_space<vmem>>, vector<512x128xf32>,
    %get3A_11 = arith.constant 0 : index
    %get3A_12 = arith.constant 0 : index
    %get3A_13 = vector.load %arg4[%get3A_11, %get3A_12] : memref<1x128xf32, #tpu.memory_space<vmem>>, vector<1x128xf32>
    %mul3A = vector.broadcast %get3A_13 : vector<1x128xf32> to vector<512x128xf32>
    %mul3A_14 = arith.mulf %get3A_4, %mul3A : vector<512x128xf32>
    %get3A_15 = arith.constant 0 : index
    %get3A_16 = arith.constant 0 : index
    %get3A_17 = vector.load %arg5[%get3A_15, %get3A_16] : memref<1x128xf32, #tpu.memory_space<vmem>>, vector<1x128xf32>
    %mul3A_18 = vector.broadcast %get3A_17 : vector<1x128xf32> to vector<512x128xf32>
    %mul3A_19 = arith.mulf %dot_general3A_8, %mul3A_18 : vector<512x128xf32>
    %add3A = arith.addf %mul3A_14, %mul3A_19 : vector<512x128xf32>
    %reduce_sum3A = arith.constant dense<0.000000e+00> : vector<512xf32>
    %reduce_sum3A_20 = vector.multi_reduction <add>, %add3A, %reduce_sum3A [1] : vector<512x128xf32> to vector<512xf32>
    %broadcast_in_dim3A = vector.shape_cast %reduce_sum3A_20 : vector<512xf32> to vector<512x1xf32>
    %swap3A_21 = arith.constant 0 : index
    %swap3A_22 = arith.constant 0 : index
    %swap3A_23 = vector.load %arg9[%swap3A_21, %swap3A_22] : memref<512x1xf32, #tpu.memory_space<vmem>>, vector<512x1xf32>
    tpu.vector_store %arg9[%swap3A_21, %swap3A_22], %broadcast_in_dim3A {strides = array<i32>} : memref<512x1xf32, #tpu.memory_space<vmem>>, vector<512x1xf32>,
    %get3A_24 = arith.constant 0 : index
    %get3A_25 = arith.constant 0 : index
    %get3A_26 = vector.load %arg6[%get3A_24, %get3A_25] : memref<1x128xf32, #tpu.memory_space<vmem>>, vector<1x128xf32>
    %mul3A_27 = vector.broadcast %get3A_26 : vector<1x128xf32> to vector<512x128xf32>
    %mul3A_28 = arith.mulf %get3A_4, %mul3A_27 : vector<512x128xf32>
    %get3A_29 = arith.constant 0 : index
    %get3A_30 = arith.constant 0 : index
    %get3A_31 = vector.load %arg7[%get3A_29, %get3A_30] : memref<1x128xf32, #tpu.memory_space<vmem>>, vector<1x128xf32>
    %mul3A_32 = vector.broadcast %get3A_31 : vector<1x128xf32> to vector<512x128xf32>
    %mul3A_33 = arith.mulf %dot_general3A_8, %mul3A_32 : vector<512x128xf32>
    %add3A_34 = arith.addf %mul3A_28, %mul3A_33 : vector<512x128xf32>
    %reduce_sum3A_35 = arith.constant dense<0.000000e+00> : vector<512xf32>
    %reduce_sum3A_36 = vector.multi_reduction <add>, %add3A_34, %reduce_sum3A_35 [1] : vector<512x128xf32> to vector<512xf32>
    %broadcast_in_dim3A_37 = vector.shape_cast %reduce_sum3A_36 : vector<512xf32> to vector<512x1xf32>
    %swap3A_38 = arith.constant 0 : index
    %swap3A_39 = arith.constant 0 : index
    %swap3A_40 = vector.load %arg10[%swap3A_38, %swap3A_39] : memref<512x1xf32, #tpu.memory_space<vmem>>, vector<512x1xf32>
    tpu.vector_store %arg10[%swap3A_38, %swap3A_39], %broadcast_in_dim3A_37 {strides = array<i32>} : memref<512x1xf32, #tpu.memory_space<vmem>>, vector<512x1xf32>,
    return
  }
  func.func @transform_0(%arg0: i32) -> (i32, i32) {
    %c0_i32 = arith.constant 0 : i32
    %c0_i32_0 = arith.constant 0 : i32
    return %arg0, %c0_i32 : i32, i32
  }
  func.func @transform_1(%arg0: i32) -> (i32, i32) {
    %c0_i32 = arith.constant 0 : i32
    %c0_i32_0 = arith.constant 0 : i32
    return %arg0, %c0_i32 : i32, i32
  }
  func.func @transform_2(%arg0: i32) -> (i32, i32) {
    %c0_i32 = arith.constant 0 : i32
    %c0_i32_0 = arith.constant 0 : i32
    %c0_i32_1 = arith.constant 0 : i32
    return %c0_i32, %c0_i32_0 : i32, i32
  }
  func.func @transform_3(%arg0: i32) -> (i32, i32) {
    %c0_i32 = arith.constant 0 : i32
    %c0_i32_0 = arith.constant 0 : i32
    %c0_i32_1 = arith.constant 0 : i32
    return %c0_i32, %c0_i32_0 : i32, i32
  }
  func.func @transform_4(%arg0: i32) -> (i32, i32) {
    %c0_i32 = arith.constant 0 : i32
    %c0_i32_0 = arith.constant 0 : i32
    %c0_i32_1 = arith.constant 0 : i32
    return %c0_i32, %c0_i32_0 : i32, i32
  }
  func.func @transform_5(%arg0: i32) -> (i32, i32) {
    %c0_i32 = arith.constant 0 : i32
    %c0_i32_0 = arith.constant 0 : i32
    %c0_i32_1 = arith.constant 0 : i32
    return %c0_i32, %c0_i32_0 : i32, i32
  }
  func.func @transform_6(%arg0: i32) -> (i32, i32) {
    %c0_i32 = arith.constant 0 : i32
    %c0_i32_0 = arith.constant 0 : i32
    %c0_i32_1 = arith.constant 0 : i32
    return %c0_i32, %c0_i32_0 : i32, i32
  }
  func.func @transform_7(%arg0: i32) -> (i32, i32) {
    %c0_i32 = arith.constant 0 : i32
    %c0_i32_0 = arith.constant 0 : i32
    return %arg0, %c0_i32 : i32, i32
  }
  func.func @transform_8(%arg0: i32) -> (i32, i32) {
    %c0_i32 = arith.constant 0 : i32
    %c0_i32_0 = arith.constant 0 : i32
    return %arg0, %c0_i32 : i32, i32
  }
  func.func @transform_9(%arg0: i32) -> (i32, i32) {
    %c0_i32 = arith.constant 0 : i32
    %c0_i32_0 = arith.constant 0 : i32
    return %arg0, %c0_i32 : i32, i32
  }
}

module attributes {stable_mosaic.version = 14 : i64} {
  func.func @_sim_topk_body(%arg0: i32, %arg1: memref<128x128xf32, #tpu.memory_space<vmem>>, %arg2: memref<10240x128xf32, #tpu.memory_space<vmem>>, %arg3: memref<128x16xi32, #tpu.memory_space<vmem>>) attributes {dimension_semantics = [#tpu.dimension_semantics<arbitrary>], iteration_bounds = array<i64: 80>, scalar_prefetch = 0 : i64, scratch_operands = 0 : i64, tpu.core_type = #tpu.core_type<tc>, window_params = [{transform_indices = @transform_0, window_bounds = array<i64: 128, 128>}, {pipeline_mode = #tpu.pipeline_mode<synchronous>, transform_indices = @transform_1, window_bounds = array<i64: 10240, 128>}, {transform_indices = @transform_2, window_bounds = array<i64: 128, 16>}]} {
    %get3A = arith.constant 0 : index
    %get3A_0 = arith.constant 0 : index
    %get3A_1 = vector.load %arg1[%get3A, %get3A_0] : memref<128x128xf32, #tpu.memory_space<vmem>>, vector<128x128xf32>
    %get3A_2 = arith.constant 0 : index
    %get3A_3 = arith.constant 0 : index
    %get3A_4 = vector.load %arg2[%get3A_2, %get3A_3] : memref<10240x128xf32, #tpu.memory_space<vmem>>, vector<10240x128xf32>
    %dot_general3A = arith.constant dense<0.000000e+00> : vector<128x10240xf32>
    %dot_general3A_5 = tpu.matmul %get3A_1, %get3A_4, %dot_general3A {dimension_numbers = #tpu.dot_dimension_numbers<[1], [1], [0], [0], [0, 0, 1, 0], [], []>, transpose_lhs_hint = false} : vector<128x128xf32>, vector<10240x128xf32>, vector<128x10240xf32> -> vector<128x10240xf32>
    %mul3A = arith.mulf %get3A_1, %get3A_1 : vector<128x128xf32>
    %reduce_sum3A = arith.constant dense<0.000000e+00> : vector<128xf32>
    %reduce_sum3A_6 = vector.multi_reduction <add>, %mul3A, %reduce_sum3A [1] : vector<128x128xf32> to vector<128xf32>
    %broadcast_in_dim3A = vector.shape_cast %reduce_sum3A_6 : vector<128xf32> to vector<128x1xf32>
    %sqrt3A = math.sqrt %broadcast_in_dim3A : vector<128x1xf32>
    %mul3A_7 = arith.mulf %get3A_4, %get3A_4 : vector<10240x128xf32>
    %reduce_sum3A_8 = arith.constant dense<0.000000e+00> : vector<10240xf32>
    %reduce_sum3A_9 = vector.multi_reduction <add>, %mul3A_7, %reduce_sum3A_8 [1] : vector<10240x128xf32> to vector<10240xf32>
    %sqrt3A_10 = math.sqrt %reduce_sum3A_9 : vector<10240xf32>
    %broadcast_in_dim3A_11 = vector.shape_cast %sqrt3A_10 : vector<10240xf32> to vector<1x10240xf32>
    %mul3A_12 = vector.broadcast %sqrt3A : vector<128x1xf32> to vector<128x10240xf32>
    %mul3A_13 = vector.broadcast %broadcast_in_dim3A_11 : vector<1x10240xf32> to vector<128x10240xf32>
    %mul3A_14 = arith.mulf %mul3A_12, %mul3A_13 : vector<128x10240xf32>
    %div3A = arith.divf %dot_general3A_5, %mul3A_14 : vector<128x10240xf32>
    %iota3A = tpu.iota {dimensions = array<i32: 1>} : vector<128x10240xi32>
    %lt3A = arith.constant 10000 : i32
    %lt3A_15 = vector.broadcast %lt3A : i32 to vector<128x10240xi32>
    %lt3A_16 = arith.cmpi slt, %iota3A, %lt3A_15 : vector<128x10240xi32>
    %jit3A = arith.constant -1.000000e+30 : f32
    %broadcast_in_dim3A_17 = vector.broadcast %jit3A : f32 to vector<128x10240xf32>
    %select_n3A = arith.select %lt3A_16, %div3A, %broadcast_in_dim3A_17 : vector<128x10240xi1>, vector<128x10240xf32>
    %reduce_max3A = arith.constant dense<0xFF800000> : vector<128xf32>
    %reduce_max3A_18 = vector.multi_reduction <maximumf>, %select_n3A, %reduce_max3A [1] : vector<128x10240xf32> to vector<128xf32>
    %broadcast_in_dim3A_19 = vector.shape_cast %reduce_max3A_18 : vector<128xf32> to vector<128x1xf32>
    %eq3A = vector.broadcast %broadcast_in_dim3A_19 : vector<128x1xf32> to vector<128x10240xf32>
    %eq3A_20 = arith.cmpf oeq, %select_n3A, %eq3A : vector<128x10240xf32>
    %jit3A_21 = arith.constant 1073741824 : i32
    %broadcast_in_dim3A_22 = vector.broadcast %jit3A_21 : i32 to vector<128x10240xi32>
    %select_n3A_23 = arith.select %eq3A_20, %iota3A, %broadcast_in_dim3A_22 : vector<128x10240xi1>, vector<128x10240xi32>
    %reduce_min3A = arith.constant dense<2147483647> : vector<128xi32>
    %reduce_min3A_24 = vector.multi_reduction <minsi>, %select_n3A_23, %reduce_min3A [1] : vector<128x10240xi32> to vector<128xi32>
    %broadcast_in_dim3A_25 = vector.shape_cast %reduce_min3A_24 : vector<128xi32> to vector<128x1xi32>
    %eq3A_26 = vector.broadcast %broadcast_in_dim3A_25 : vector<128x1xi32> to vector<128x10240xi32>
    %eq3A_27 = arith.cmpi eq, %iota3A, %eq3A_26 : vector<128x10240xi32>
    %jit3A_28 = arith.constant 0xFF800000 : f32
    %broadcast_in_dim3A_29 = vector.broadcast %jit3A_28 : f32 to vector<128x10240xf32>
    %select_n3A_30 = arith.select %eq3A_27, %broadcast_in_dim3A_29, %select_n3A : vector<128x10240xi1>, vector<128x10240xf32>
    %reduce_max3A_31 = arith.constant dense<0xFF800000> : vector<128xf32>
    %reduce_max3A_32 = vector.multi_reduction <maximumf>, %select_n3A_30, %reduce_max3A_31 [1] : vector<128x10240xf32> to vector<128xf32>
    %broadcast_in_dim3A_33 = vector.shape_cast %reduce_max3A_32 : vector<128xf32> to vector<128x1xf32>
    %eq3A_34 = vector.broadcast %broadcast_in_dim3A_33 : vector<128x1xf32> to vector<128x10240xf32>
    %eq3A_35 = arith.cmpf oeq, %select_n3A_30, %eq3A_34 : vector<128x10240xf32>
    %jit3A_36 = arith.constant 1073741824 : i32
    %broadcast_in_dim3A_37 = vector.broadcast %jit3A_36 : i32 to vector<128x10240xi32>
    %select_n3A_38 = arith.select %eq3A_35, %iota3A, %broadcast_in_dim3A_37 : vector<128x10240xi1>, vector<128x10240xi32>
    %reduce_min3A_39 = arith.constant dense<2147483647> : vector<128xi32>
    %reduce_min3A_40 = vector.multi_reduction <minsi>, %select_n3A_38, %reduce_min3A_39 [1] : vector<128x10240xi32> to vector<128xi32>
    %broadcast_in_dim3A_41 = vector.shape_cast %reduce_min3A_40 : vector<128xi32> to vector<128x1xi32>
    %eq3A_42 = vector.broadcast %broadcast_in_dim3A_41 : vector<128x1xi32> to vector<128x10240xi32>
    %eq3A_43 = arith.cmpi eq, %iota3A, %eq3A_42 : vector<128x10240xi32>
    %jit3A_44 = arith.constant 0xFF800000 : f32
    %broadcast_in_dim3A_45 = vector.broadcast %jit3A_44 : f32 to vector<128x10240xf32>
    %select_n3A_46 = arith.select %eq3A_43, %broadcast_in_dim3A_45, %select_n3A_30 : vector<128x10240xi1>, vector<128x10240xf32>
    %reduce_max3A_47 = arith.constant dense<0xFF800000> : vector<128xf32>
    %reduce_max3A_48 = vector.multi_reduction <maximumf>, %select_n3A_46, %reduce_max3A_47 [1] : vector<128x10240xf32> to vector<128xf32>
    %broadcast_in_dim3A_49 = vector.shape_cast %reduce_max3A_48 : vector<128xf32> to vector<128x1xf32>
    %eq3A_50 = vector.broadcast %broadcast_in_dim3A_49 : vector<128x1xf32> to vector<128x10240xf32>
    %eq3A_51 = arith.cmpf oeq, %select_n3A_46, %eq3A_50 : vector<128x10240xf32>
    %jit3A_52 = arith.constant 1073741824 : i32
    %broadcast_in_dim3A_53 = vector.broadcast %jit3A_52 : i32 to vector<128x10240xi32>
    %select_n3A_54 = arith.select %eq3A_51, %iota3A, %broadcast_in_dim3A_53 : vector<128x10240xi1>, vector<128x10240xi32>
    %reduce_min3A_55 = arith.constant dense<2147483647> : vector<128xi32>
    %reduce_min3A_56 = vector.multi_reduction <minsi>, %select_n3A_54, %reduce_min3A_55 [1] : vector<128x10240xi32> to vector<128xi32>
    %broadcast_in_dim3A_57 = vector.shape_cast %reduce_min3A_56 : vector<128xi32> to vector<128x1xi32>
    %eq3A_58 = vector.broadcast %broadcast_in_dim3A_57 : vector<128x1xi32> to vector<128x10240xi32>
    %eq3A_59 = arith.cmpi eq, %iota3A, %eq3A_58 : vector<128x10240xi32>
    %jit3A_60 = arith.constant 0xFF800000 : f32
    %broadcast_in_dim3A_61 = vector.broadcast %jit3A_60 : f32 to vector<128x10240xf32>
    %select_n3A_62 = arith.select %eq3A_59, %broadcast_in_dim3A_61, %select_n3A_46 : vector<128x10240xi1>, vector<128x10240xf32>
    %reduce_max3A_63 = arith.constant dense<0xFF800000> : vector<128xf32>
    %reduce_max3A_64 = vector.multi_reduction <maximumf>, %select_n3A_62, %reduce_max3A_63 [1] : vector<128x10240xf32> to vector<128xf32>
    %broadcast_in_dim3A_65 = vector.shape_cast %reduce_max3A_64 : vector<128xf32> to vector<128x1xf32>
    %eq3A_66 = vector.broadcast %broadcast_in_dim3A_65 : vector<128x1xf32> to vector<128x10240xf32>
    %eq3A_67 = arith.cmpf oeq, %select_n3A_62, %eq3A_66 : vector<128x10240xf32>
    %jit3A_68 = arith.constant 1073741824 : i32
    %broadcast_in_dim3A_69 = vector.broadcast %jit3A_68 : i32 to vector<128x10240xi32>
    %select_n3A_70 = arith.select %eq3A_67, %iota3A, %broadcast_in_dim3A_69 : vector<128x10240xi1>, vector<128x10240xi32>
    %reduce_min3A_71 = arith.constant dense<2147483647> : vector<128xi32>
    %reduce_min3A_72 = vector.multi_reduction <minsi>, %select_n3A_70, %reduce_min3A_71 [1] : vector<128x10240xi32> to vector<128xi32>
    %broadcast_in_dim3A_73 = vector.shape_cast %reduce_min3A_72 : vector<128xi32> to vector<128x1xi32>
    %eq3A_74 = vector.broadcast %broadcast_in_dim3A_73 : vector<128x1xi32> to vector<128x10240xi32>
    %eq3A_75 = arith.cmpi eq, %iota3A, %eq3A_74 : vector<128x10240xi32>
    %jit3A_76 = arith.constant 0xFF800000 : f32
    %broadcast_in_dim3A_77 = vector.broadcast %jit3A_76 : f32 to vector<128x10240xf32>
    %select_n3A_78 = arith.select %eq3A_75, %broadcast_in_dim3A_77, %select_n3A_62 : vector<128x10240xi1>, vector<128x10240xf32>
    %reduce_max3A_79 = arith.constant dense<0xFF800000> : vector<128xf32>
    %reduce_max3A_80 = vector.multi_reduction <maximumf>, %select_n3A_78, %reduce_max3A_79 [1] : vector<128x10240xf32> to vector<128xf32>
    %broadcast_in_dim3A_81 = vector.shape_cast %reduce_max3A_80 : vector<128xf32> to vector<128x1xf32>
    %eq3A_82 = vector.broadcast %broadcast_in_dim3A_81 : vector<128x1xf32> to vector<128x10240xf32>
    %eq3A_83 = arith.cmpf oeq, %select_n3A_78, %eq3A_82 : vector<128x10240xf32>
    %jit3A_84 = arith.constant 1073741824 : i32
    %broadcast_in_dim3A_85 = vector.broadcast %jit3A_84 : i32 to vector<128x10240xi32>
    %select_n3A_86 = arith.select %eq3A_83, %iota3A, %broadcast_in_dim3A_85 : vector<128x10240xi1>, vector<128x10240xi32>
    %reduce_min3A_87 = arith.constant dense<2147483647> : vector<128xi32>
    %reduce_min3A_88 = vector.multi_reduction <minsi>, %select_n3A_86, %reduce_min3A_87 [1] : vector<128x10240xi32> to vector<128xi32>
    %broadcast_in_dim3A_89 = vector.shape_cast %reduce_min3A_88 : vector<128xi32> to vector<128x1xi32>
    %eq3A_90 = vector.broadcast %broadcast_in_dim3A_89 : vector<128x1xi32> to vector<128x10240xi32>
    %eq3A_91 = arith.cmpi eq, %iota3A, %eq3A_90 : vector<128x10240xi32>
    %jit3A_92 = arith.constant 0xFF800000 : f32
    %broadcast_in_dim3A_93 = vector.broadcast %jit3A_92 : f32 to vector<128x10240xf32>
    %select_n3A_94 = arith.select %eq3A_91, %broadcast_in_dim3A_93, %select_n3A_78 : vector<128x10240xi1>, vector<128x10240xf32>
    %reduce_max3A_95 = arith.constant dense<0xFF800000> : vector<128xf32>
    %reduce_max3A_96 = vector.multi_reduction <maximumf>, %select_n3A_94, %reduce_max3A_95 [1] : vector<128x10240xf32> to vector<128xf32>
    %broadcast_in_dim3A_97 = vector.shape_cast %reduce_max3A_96 : vector<128xf32> to vector<128x1xf32>
    %eq3A_98 = vector.broadcast %broadcast_in_dim3A_97 : vector<128x1xf32> to vector<128x10240xf32>
    %eq3A_99 = arith.cmpf oeq, %select_n3A_94, %eq3A_98 : vector<128x10240xf32>
    %jit3A_100 = arith.constant 1073741824 : i32
    %broadcast_in_dim3A_101 = vector.broadcast %jit3A_100 : i32 to vector<128x10240xi32>
    %select_n3A_102 = arith.select %eq3A_99, %iota3A, %broadcast_in_dim3A_101 : vector<128x10240xi1>, vector<128x10240xi32>
    %reduce_min3A_103 = arith.constant dense<2147483647> : vector<128xi32>
    %reduce_min3A_104 = vector.multi_reduction <minsi>, %select_n3A_102, %reduce_min3A_103 [1] : vector<128x10240xi32> to vector<128xi32>
    %broadcast_in_dim3A_105 = vector.shape_cast %reduce_min3A_104 : vector<128xi32> to vector<128x1xi32>
    %eq3A_106 = vector.broadcast %broadcast_in_dim3A_105 : vector<128x1xi32> to vector<128x10240xi32>
    %eq3A_107 = arith.cmpi eq, %iota3A, %eq3A_106 : vector<128x10240xi32>
    %jit3A_108 = arith.constant 0xFF800000 : f32
    %broadcast_in_dim3A_109 = vector.broadcast %jit3A_108 : f32 to vector<128x10240xf32>
    %select_n3A_110 = arith.select %eq3A_107, %broadcast_in_dim3A_109, %select_n3A_94 : vector<128x10240xi1>, vector<128x10240xf32>
    %reduce_max3A_111 = arith.constant dense<0xFF800000> : vector<128xf32>
    %reduce_max3A_112 = vector.multi_reduction <maximumf>, %select_n3A_110, %reduce_max3A_111 [1] : vector<128x10240xf32> to vector<128xf32>
    %broadcast_in_dim3A_113 = vector.shape_cast %reduce_max3A_112 : vector<128xf32> to vector<128x1xf32>
    %eq3A_114 = vector.broadcast %broadcast_in_dim3A_113 : vector<128x1xf32> to vector<128x10240xf32>
    %eq3A_115 = arith.cmpf oeq, %select_n3A_110, %eq3A_114 : vector<128x10240xf32>
    %jit3A_116 = arith.constant 1073741824 : i32
    %broadcast_in_dim3A_117 = vector.broadcast %jit3A_116 : i32 to vector<128x10240xi32>
    %select_n3A_118 = arith.select %eq3A_115, %iota3A, %broadcast_in_dim3A_117 : vector<128x10240xi1>, vector<128x10240xi32>
    %reduce_min3A_119 = arith.constant dense<2147483647> : vector<128xi32>
    %reduce_min3A_120 = vector.multi_reduction <minsi>, %select_n3A_118, %reduce_min3A_119 [1] : vector<128x10240xi32> to vector<128xi32>
    %broadcast_in_dim3A_121 = vector.shape_cast %reduce_min3A_120 : vector<128xi32> to vector<128x1xi32>
    %eq3A_122 = vector.broadcast %broadcast_in_dim3A_121 : vector<128x1xi32> to vector<128x10240xi32>
    %eq3A_123 = arith.cmpi eq, %iota3A, %eq3A_122 : vector<128x10240xi32>
    %jit3A_124 = arith.constant 0xFF800000 : f32
    %broadcast_in_dim3A_125 = vector.broadcast %jit3A_124 : f32 to vector<128x10240xf32>
    %select_n3A_126 = arith.select %eq3A_123, %broadcast_in_dim3A_125, %select_n3A_110 : vector<128x10240xi1>, vector<128x10240xf32>
    %reduce_max3A_127 = arith.constant dense<0xFF800000> : vector<128xf32>
    %reduce_max3A_128 = vector.multi_reduction <maximumf>, %select_n3A_126, %reduce_max3A_127 [1] : vector<128x10240xf32> to vector<128xf32>
    %broadcast_in_dim3A_129 = vector.shape_cast %reduce_max3A_128 : vector<128xf32> to vector<128x1xf32>
    %eq3A_130 = vector.broadcast %broadcast_in_dim3A_129 : vector<128x1xf32> to vector<128x10240xf32>
    %eq3A_131 = arith.cmpf oeq, %select_n3A_126, %eq3A_130 : vector<128x10240xf32>
    %jit3A_132 = arith.constant 1073741824 : i32
    %broadcast_in_dim3A_133 = vector.broadcast %jit3A_132 : i32 to vector<128x10240xi32>
    %select_n3A_134 = arith.select %eq3A_131, %iota3A, %broadcast_in_dim3A_133 : vector<128x10240xi1>, vector<128x10240xi32>
    %reduce_min3A_135 = arith.constant dense<2147483647> : vector<128xi32>
    %reduce_min3A_136 = vector.multi_reduction <minsi>, %select_n3A_134, %reduce_min3A_135 [1] : vector<128x10240xi32> to vector<128xi32>
    %broadcast_in_dim3A_137 = vector.shape_cast %reduce_min3A_136 : vector<128xi32> to vector<128x1xi32>
    %eq3A_138 = vector.broadcast %broadcast_in_dim3A_137 : vector<128x1xi32> to vector<128x10240xi32>
    %eq3A_139 = arith.cmpi eq, %iota3A, %eq3A_138 : vector<128x10240xi32>
    %jit3A_140 = arith.constant 0xFF800000 : f32
    %broadcast_in_dim3A_141 = vector.broadcast %jit3A_140 : f32 to vector<128x10240xf32>
    %select_n3A_142 = arith.select %eq3A_139, %broadcast_in_dim3A_141, %select_n3A_126 : vector<128x10240xi1>, vector<128x10240xf32>
    %reduce_max3A_143 = arith.constant dense<0xFF800000> : vector<128xf32>
    %reduce_max3A_144 = vector.multi_reduction <maximumf>, %select_n3A_142, %reduce_max3A_143 [1] : vector<128x10240xf32> to vector<128xf32>
    %broadcast_in_dim3A_145 = vector.shape_cast %reduce_max3A_144 : vector<128xf32> to vector<128x1xf32>
    %eq3A_146 = vector.broadcast %broadcast_in_dim3A_145 : vector<128x1xf32> to vector<128x10240xf32>
    %eq3A_147 = arith.cmpf oeq, %select_n3A_142, %eq3A_146 : vector<128x10240xf32>
    %jit3A_148 = arith.constant 1073741824 : i32
    %broadcast_in_dim3A_149 = vector.broadcast %jit3A_148 : i32 to vector<128x10240xi32>
    %select_n3A_150 = arith.select %eq3A_147, %iota3A, %broadcast_in_dim3A_149 : vector<128x10240xi1>, vector<128x10240xi32>
    %reduce_min3A_151 = arith.constant dense<2147483647> : vector<128xi32>
    %reduce_min3A_152 = vector.multi_reduction <minsi>, %select_n3A_150, %reduce_min3A_151 [1] : vector<128x10240xi32> to vector<128xi32>
    %broadcast_in_dim3A_153 = vector.shape_cast %reduce_min3A_152 : vector<128xi32> to vector<128x1xi32>
    %eq3A_154 = vector.broadcast %broadcast_in_dim3A_153 : vector<128x1xi32> to vector<128x10240xi32>
    %eq3A_155 = arith.cmpi eq, %iota3A, %eq3A_154 : vector<128x10240xi32>
    %jit3A_156 = arith.constant 0xFF800000 : f32
    %broadcast_in_dim3A_157 = vector.broadcast %jit3A_156 : f32 to vector<128x10240xf32>
    %select_n3A_158 = arith.select %eq3A_155, %broadcast_in_dim3A_157, %select_n3A_142 : vector<128x10240xi1>, vector<128x10240xf32>
    %reduce_max3A_159 = arith.constant dense<0xFF800000> : vector<128xf32>
    %reduce_max3A_160 = vector.multi_reduction <maximumf>, %select_n3A_158, %reduce_max3A_159 [1] : vector<128x10240xf32> to vector<128xf32>
    %broadcast_in_dim3A_161 = vector.shape_cast %reduce_max3A_160 : vector<128xf32> to vector<128x1xf32>
    %eq3A_162 = vector.broadcast %broadcast_in_dim3A_161 : vector<128x1xf32> to vector<128x10240xf32>
    %eq3A_163 = arith.cmpf oeq, %select_n3A_158, %eq3A_162 : vector<128x10240xf32>
    %jit3A_164 = arith.constant 1073741824 : i32
    %broadcast_in_dim3A_165 = vector.broadcast %jit3A_164 : i32 to vector<128x10240xi32>
    %select_n3A_166 = arith.select %eq3A_163, %iota3A, %broadcast_in_dim3A_165 : vector<128x10240xi1>, vector<128x10240xi32>
    %reduce_min3A_167 = arith.constant dense<2147483647> : vector<128xi32>
    %reduce_min3A_168 = vector.multi_reduction <minsi>, %select_n3A_166, %reduce_min3A_167 [1] : vector<128x10240xi32> to vector<128xi32>
    %broadcast_in_dim3A_169 = vector.shape_cast %reduce_min3A_168 : vector<128xi32> to vector<128x1xi32>
    %eq3A_170 = vector.broadcast %broadcast_in_dim3A_169 : vector<128x1xi32> to vector<128x10240xi32>
    %eq3A_171 = arith.cmpi eq, %iota3A, %eq3A_170 : vector<128x10240xi32>
    %jit3A_172 = arith.constant 0xFF800000 : f32
    %broadcast_in_dim3A_173 = vector.broadcast %jit3A_172 : f32 to vector<128x10240xf32>
    %select_n3A_174 = arith.select %eq3A_171, %broadcast_in_dim3A_173, %select_n3A_158 : vector<128x10240xi1>, vector<128x10240xf32>
    %reduce_max3A_175 = arith.constant dense<0xFF800000> : vector<128xf32>
    %reduce_max3A_176 = vector.multi_reduction <maximumf>, %select_n3A_174, %reduce_max3A_175 [1] : vector<128x10240xf32> to vector<128xf32>
    %broadcast_in_dim3A_177 = vector.shape_cast %reduce_max3A_176 : vector<128xf32> to vector<128x1xf32>
    %eq3A_178 = vector.broadcast %broadcast_in_dim3A_177 : vector<128x1xf32> to vector<128x10240xf32>
    %eq3A_179 = arith.cmpf oeq, %select_n3A_174, %eq3A_178 : vector<128x10240xf32>
    %jit3A_180 = arith.constant 1073741824 : i32
    %broadcast_in_dim3A_181 = vector.broadcast %jit3A_180 : i32 to vector<128x10240xi32>
    %select_n3A_182 = arith.select %eq3A_179, %iota3A, %broadcast_in_dim3A_181 : vector<128x10240xi1>, vector<128x10240xi32>
    %reduce_min3A_183 = arith.constant dense<2147483647> : vector<128xi32>
    %reduce_min3A_184 = vector.multi_reduction <minsi>, %select_n3A_182, %reduce_min3A_183 [1] : vector<128x10240xi32> to vector<128xi32>
    %broadcast_in_dim3A_185 = vector.shape_cast %reduce_min3A_184 : vector<128xi32> to vector<128x1xi32>
    %eq3A_186 = vector.broadcast %broadcast_in_dim3A_185 : vector<128x1xi32> to vector<128x10240xi32>
    %eq3A_187 = arith.cmpi eq, %iota3A, %eq3A_186 : vector<128x10240xi32>
    %jit3A_188 = arith.constant 0xFF800000 : f32
    %broadcast_in_dim3A_189 = vector.broadcast %jit3A_188 : f32 to vector<128x10240xf32>
    %select_n3A_190 = arith.select %eq3A_187, %broadcast_in_dim3A_189, %select_n3A_174 : vector<128x10240xi1>, vector<128x10240xf32>
    %reduce_max3A_191 = arith.constant dense<0xFF800000> : vector<128xf32>
    %reduce_max3A_192 = vector.multi_reduction <maximumf>, %select_n3A_190, %reduce_max3A_191 [1] : vector<128x10240xf32> to vector<128xf32>
    %broadcast_in_dim3A_193 = vector.shape_cast %reduce_max3A_192 : vector<128xf32> to vector<128x1xf32>
    %eq3A_194 = vector.broadcast %broadcast_in_dim3A_193 : vector<128x1xf32> to vector<128x10240xf32>
    %eq3A_195 = arith.cmpf oeq, %select_n3A_190, %eq3A_194 : vector<128x10240xf32>
    %jit3A_196 = arith.constant 1073741824 : i32
    %broadcast_in_dim3A_197 = vector.broadcast %jit3A_196 : i32 to vector<128x10240xi32>
    %select_n3A_198 = arith.select %eq3A_195, %iota3A, %broadcast_in_dim3A_197 : vector<128x10240xi1>, vector<128x10240xi32>
    %reduce_min3A_199 = arith.constant dense<2147483647> : vector<128xi32>
    %reduce_min3A_200 = vector.multi_reduction <minsi>, %select_n3A_198, %reduce_min3A_199 [1] : vector<128x10240xi32> to vector<128xi32>
    %broadcast_in_dim3A_201 = vector.shape_cast %reduce_min3A_200 : vector<128xi32> to vector<128x1xi32>
    %eq3A_202 = vector.broadcast %broadcast_in_dim3A_201 : vector<128x1xi32> to vector<128x10240xi32>
    %eq3A_203 = arith.cmpi eq, %iota3A, %eq3A_202 : vector<128x10240xi32>
    %jit3A_204 = arith.constant 0xFF800000 : f32
    %broadcast_in_dim3A_205 = vector.broadcast %jit3A_204 : f32 to vector<128x10240xf32>
    %select_n3A_206 = arith.select %eq3A_203, %broadcast_in_dim3A_205, %select_n3A_190 : vector<128x10240xi1>, vector<128x10240xf32>
    %reduce_max3A_207 = arith.constant dense<0xFF800000> : vector<128xf32>
    %reduce_max3A_208 = vector.multi_reduction <maximumf>, %select_n3A_206, %reduce_max3A_207 [1] : vector<128x10240xf32> to vector<128xf32>
    %broadcast_in_dim3A_209 = vector.shape_cast %reduce_max3A_208 : vector<128xf32> to vector<128x1xf32>
    %eq3A_210 = vector.broadcast %broadcast_in_dim3A_209 : vector<128x1xf32> to vector<128x10240xf32>
    %eq3A_211 = arith.cmpf oeq, %select_n3A_206, %eq3A_210 : vector<128x10240xf32>
    %jit3A_212 = arith.constant 1073741824 : i32
    %broadcast_in_dim3A_213 = vector.broadcast %jit3A_212 : i32 to vector<128x10240xi32>
    %select_n3A_214 = arith.select %eq3A_211, %iota3A, %broadcast_in_dim3A_213 : vector<128x10240xi1>, vector<128x10240xi32>
    %reduce_min3A_215 = arith.constant dense<2147483647> : vector<128xi32>
    %reduce_min3A_216 = vector.multi_reduction <minsi>, %select_n3A_214, %reduce_min3A_215 [1] : vector<128x10240xi32> to vector<128xi32>
    %broadcast_in_dim3A_217 = vector.shape_cast %reduce_min3A_216 : vector<128xi32> to vector<128x1xi32>
    %eq3A_218 = vector.broadcast %broadcast_in_dim3A_217 : vector<128x1xi32> to vector<128x10240xi32>
    %eq3A_219 = arith.cmpi eq, %iota3A, %eq3A_218 : vector<128x10240xi32>
    %jit3A_220 = arith.constant 0xFF800000 : f32
    %broadcast_in_dim3A_221 = vector.broadcast %jit3A_220 : f32 to vector<128x10240xf32>
    %select_n3A_222 = arith.select %eq3A_219, %broadcast_in_dim3A_221, %select_n3A_206 : vector<128x10240xi1>, vector<128x10240xf32>
    %reduce_max3A_223 = arith.constant dense<0xFF800000> : vector<128xf32>
    %reduce_max3A_224 = vector.multi_reduction <maximumf>, %select_n3A_222, %reduce_max3A_223 [1] : vector<128x10240xf32> to vector<128xf32>
    %broadcast_in_dim3A_225 = vector.shape_cast %reduce_max3A_224 : vector<128xf32> to vector<128x1xf32>
    %eq3A_226 = vector.broadcast %broadcast_in_dim3A_225 : vector<128x1xf32> to vector<128x10240xf32>
    %eq3A_227 = arith.cmpf oeq, %select_n3A_222, %eq3A_226 : vector<128x10240xf32>
    %jit3A_228 = arith.constant 1073741824 : i32
    %broadcast_in_dim3A_229 = vector.broadcast %jit3A_228 : i32 to vector<128x10240xi32>
    %select_n3A_230 = arith.select %eq3A_227, %iota3A, %broadcast_in_dim3A_229 : vector<128x10240xi1>, vector<128x10240xi32>
    %reduce_min3A_231 = arith.constant dense<2147483647> : vector<128xi32>
    %reduce_min3A_232 = vector.multi_reduction <minsi>, %select_n3A_230, %reduce_min3A_231 [1] : vector<128x10240xi32> to vector<128xi32>
    %broadcast_in_dim3A_233 = vector.shape_cast %reduce_min3A_232 : vector<128xi32> to vector<128x1xi32>
    %eq3A_234 = vector.broadcast %broadcast_in_dim3A_233 : vector<128x1xi32> to vector<128x10240xi32>
    %eq3A_235 = arith.cmpi eq, %iota3A, %eq3A_234 : vector<128x10240xi32>
    %jit3A_236 = arith.constant 0xFF800000 : f32
    %broadcast_in_dim3A_237 = vector.broadcast %jit3A_236 : f32 to vector<128x10240xf32>
    %select_n3A_238 = arith.select %eq3A_235, %broadcast_in_dim3A_237, %select_n3A_222 : vector<128x10240xi1>, vector<128x10240xf32>
    %reduce_max3A_239 = arith.constant dense<0xFF800000> : vector<128xf32>
    %reduce_max3A_240 = vector.multi_reduction <maximumf>, %select_n3A_238, %reduce_max3A_239 [1] : vector<128x10240xf32> to vector<128xf32>
    %broadcast_in_dim3A_241 = vector.shape_cast %reduce_max3A_240 : vector<128xf32> to vector<128x1xf32>
    %eq3A_242 = vector.broadcast %broadcast_in_dim3A_241 : vector<128x1xf32> to vector<128x10240xf32>
    %eq3A_243 = arith.cmpf oeq, %select_n3A_238, %eq3A_242 : vector<128x10240xf32>
    %jit3A_244 = arith.constant 1073741824 : i32
    %broadcast_in_dim3A_245 = vector.broadcast %jit3A_244 : i32 to vector<128x10240xi32>
    %select_n3A_246 = arith.select %eq3A_243, %iota3A, %broadcast_in_dim3A_245 : vector<128x10240xi1>, vector<128x10240xi32>
    %reduce_min3A_247 = arith.constant dense<2147483647> : vector<128xi32>
    %reduce_min3A_248 = vector.multi_reduction <minsi>, %select_n3A_246, %reduce_min3A_247 [1] : vector<128x10240xi32> to vector<128xi32>
    %broadcast_in_dim3A_249 = vector.shape_cast %reduce_min3A_248 : vector<128xi32> to vector<128x1xi32>
    %eq3A_250 = vector.broadcast %broadcast_in_dim3A_249 : vector<128x1xi32> to vector<128x10240xi32>
    %eq3A_251 = arith.cmpi eq, %iota3A, %eq3A_250 : vector<128x10240xi32>
    %jit3A_252 = arith.constant 0xFF800000 : f32
    %broadcast_in_dim3A_253 = vector.broadcast %jit3A_252 : f32 to vector<128x10240xf32>
    %select_n3A_254 = arith.select %eq3A_251, %broadcast_in_dim3A_253, %select_n3A_238 : vector<128x10240xi1>, vector<128x10240xf32>
    %reduce_max3A_255 = arith.constant dense<0xFF800000> : vector<128xf32>
    %reduce_max3A_256 = vector.multi_reduction <maximumf>, %select_n3A_254, %reduce_max3A_255 [1] : vector<128x10240xf32> to vector<128xf32>
    %broadcast_in_dim3A_257 = vector.shape_cast %reduce_max3A_256 : vector<128xf32> to vector<128x1xf32>
    %eq3A_258 = vector.broadcast %broadcast_in_dim3A_257 : vector<128x1xf32> to vector<128x10240xf32>
    %eq3A_259 = arith.cmpf oeq, %select_n3A_254, %eq3A_258 : vector<128x10240xf32>
    %jit3A_260 = arith.constant 1073741824 : i32
    %broadcast_in_dim3A_261 = vector.broadcast %jit3A_260 : i32 to vector<128x10240xi32>
    %select_n3A_262 = arith.select %eq3A_259, %iota3A, %broadcast_in_dim3A_261 : vector<128x10240xi1>, vector<128x10240xi32>
    %reduce_min3A_263 = arith.constant dense<2147483647> : vector<128xi32>
    %reduce_min3A_264 = vector.multi_reduction <minsi>, %select_n3A_262, %reduce_min3A_263 [1] : vector<128x10240xi32> to vector<128xi32>
    %broadcast_in_dim3A_265 = vector.shape_cast %reduce_min3A_264 : vector<128xi32> to vector<128x1xi32>
    %concatenate3A = tpu.concatenate %broadcast_in_dim3A_25, %broadcast_in_dim3A_41, %broadcast_in_dim3A_57, %broadcast_in_dim3A_73, %broadcast_in_dim3A_89, %broadcast_in_dim3A_105, %broadcast_in_dim3A_121, %broadcast_in_dim3A_137, %broadcast_in_dim3A_153, %broadcast_in_dim3A_169, %broadcast_in_dim3A_185, %broadcast_in_dim3A_201, %broadcast_in_dim3A_217, %broadcast_in_dim3A_233, %broadcast_in_dim3A_249, %broadcast_in_dim3A_265 in 1 : vector<128x1xi32>, vector<128x1xi32>, vector<128x1xi32>, vector<128x1xi32>, vector<128x1xi32>, vector<128x1xi32>, vector<128x1xi32>, vector<128x1xi32>, vector<128x1xi32>, vector<128x1xi32>, vector<128x1xi32>, vector<128x1xi32>, vector<128x1xi32>, vector<128x1xi32>, vector<128x1xi32>, vector<128x1xi32> -> vector<128x16xi32>
    %swap3A = arith.constant 0 : index
    %swap3A_266 = arith.constant 0 : index
    %swap3A_267 = vector.load %arg3[%swap3A, %swap3A_266] : memref<128x16xi32, #tpu.memory_space<vmem>>, vector<128x16xi32>
    tpu.vector_store %arg3[%swap3A, %swap3A_266], %concatenate3A {strides = array<i32>} : memref<128x16xi32, #tpu.memory_space<vmem>>, vector<128x16xi32>,
    return
  }
  func.func @transform_0(%arg0: i32) -> (i32, i32) {
    %c0_i32 = arith.constant 0 : i32
    %c0_i32_0 = arith.constant 0 : i32
    return %arg0, %c0_i32 : i32, i32
  }
  func.func @transform_1(%arg0: i32) -> (i32, i32) {
    %c0_i32 = arith.constant 0 : i32
    %c0_i32_0 = arith.constant 0 : i32
    %c0_i32_1 = arith.constant 0 : i32
    return %c0_i32, %c0_i32_0 : i32, i32
  }
  func.func @transform_2(%arg0: i32) -> (i32, i32) {
    %c0_i32 = arith.constant 0 : i32
    %c0_i32_0 = arith.constant 0 : i32
    return %arg0, %c0_i32 : i32, i32
  }
}

module attributes {stable_mosaic.version = 14 : i64} {
  func.func @_tail_body(%arg0: memref<20000x128xf32, #tpu.memory_space<vmem>>, %arg1: memref<20000x16xf32, #tpu.memory_space<vmem>>, %arg2: memref<10000x128xf32, #tpu.memory_space<vmem>>, %arg3: memref<1x128xf32, #tpu.memory_space<vmem>>, %arg4: memref<1x128xf32, #tpu.memory_space<vmem>>, %arg5: memref<1x128xf32, #tpu.memory_space<vmem>>, %arg6: memref<1x128xf32, #tpu.memory_space<vmem>>, %arg7: memref<1x128xf32, #tpu.memory_space<vmem>>, %arg8: memref<20000x1xf32, #tpu.memory_space<vmem>>) attributes {dimension_semantics = [], scalar_prefetch = 0 : i64, scratch_operands = 0 : i64, tpu.core_type = #tpu.core_type<tc>} {
    %get3A = arith.constant 0 : index
    %get3A_0 = arith.constant 0 : index
    %get3A_1 = vector.load %arg0[%get3A, %get3A_0] : memref<20000x128xf32, #tpu.memory_space<vmem>>, vector<20000x128xf32>
    %get3A_2 = arith.constant 0 : index
    %get3A_3 = arith.constant 0 : index
    %get3A_4 = vector.load %arg1[%get3A_2, %get3A_3] : memref<20000x16xf32, #tpu.memory_space<vmem>>, vector<20000x16xf32>
    %reduce_sum3A = arith.constant dense<0.000000e+00> : vector<20000xf32>
    %reduce_sum3A_5 = vector.multi_reduction <add>, %get3A_4, %reduce_sum3A [1] : vector<20000x16xf32> to vector<20000xf32>
    %broadcast_in_dim3A = vector.shape_cast %reduce_sum3A_5 : vector<20000xf32> to vector<20000x1xf32>
    %add3A = arith.constant 1.000000e-16 : f32
    %add3A_6 = vector.broadcast %add3A : f32 to vector<20000x1xf32>
    %add3A_7 = arith.addf %broadcast_in_dim3A, %add3A_6 : vector<20000x1xf32>
    %div3A = vector.broadcast %add3A_7 : vector<20000x1xf32> to vector<20000x128xf32>
    %div3A_8 = arith.divf %get3A_1, %div3A : vector<20000x128xf32>
    %reduce_sum3A_9 = arith.constant dense<0.000000e+00> : vector<128xf32>
    %reduce_sum3A_10 = vector.multi_reduction <add>, %div3A_8, %reduce_sum3A_9 [0] : vector<20000x128xf32> to vector<128xf32>
    %broadcast_in_dim3A_11 = vector.shape_cast %reduce_sum3A_10 : vector<128xf32> to vector<1x128xf32>
    %div3A_12 = arith.constant 2.000000e+04 : f32
    %div3A_13 = vector.broadcast %div3A_12 : f32 to vector<1x128xf32>
    %div3A_14 = arith.divf %broadcast_in_dim3A_11, %div3A_13 : vector<1x128xf32>
    %sub3A = vector.broadcast %div3A_14 : vector<1x128xf32> to vector<20000x128xf32>
    %sub3A_15 = arith.subf %div3A_8, %sub3A : vector<20000x128xf32>
    %integer_pow3A = arith.mulf %sub3A_15, %sub3A_15 : vector<20000x128xf32>
    %reduce_sum3A_16 = arith.constant dense<0.000000e+00> : vector<128xf32>
    %reduce_sum3A_17 = vector.multi_reduction <add>, %integer_pow3A, %reduce_sum3A_16 [0] : vector<20000x128xf32> to vector<128xf32>
    %broadcast_in_dim3A_18 = vector.shape_cast %reduce_sum3A_17 : vector<128xf32> to vector<1x128xf32>
    %div3A_19 = arith.constant 2.000000e+04 : f32
    %div3A_20 = vector.broadcast %div3A_19 : f32 to vector<1x128xf32>
    %div3A_21 = arith.divf %broadcast_in_dim3A_18, %div3A_20 : vector<1x128xf32>
    %sub3A_22 = vector.broadcast %div3A_14 : vector<1x128xf32> to vector<20000x128xf32>
    %sub3A_23 = arith.subf %div3A_8, %sub3A_22 : vector<20000x128xf32>
    %add3A_24 = arith.constant 9.99999974E-6 : f32
    %add3A_25 = vector.broadcast %add3A_24 : f32 to vector<1x128xf32>
    %add3A_26 = arith.addf %div3A_21, %add3A_25 : vector<1x128xf32>
    %sqrt3A = math.sqrt %add3A_26 : vector<1x128xf32>
    %div3A_27 = vector.broadcast %sqrt3A : vector<1x128xf32> to vector<20000x128xf32>
    %div3A_28 = arith.divf %sub3A_23, %div3A_27 : vector<20000x128xf32>
    %get3A_29 = arith.constant 0 : index
    %get3A_30 = arith.constant 0 : index
    %get3A_31 = vector.load %arg3[%get3A_29, %get3A_30] : memref<1x128xf32, #tpu.memory_space<vmem>>, vector<1x128xf32>
    %mul3A = vector.broadcast %get3A_31 : vector<1x128xf32> to vector<20000x128xf32>
    %mul3A_32 = arith.mulf %div3A_28, %mul3A : vector<20000x128xf32>
    %get3A_33 = arith.constant 0 : index
    %get3A_34 = arith.constant 0 : index
    %get3A_35 = vector.load %arg4[%get3A_33, %get3A_34] : memref<1x128xf32, #tpu.memory_space<vmem>>, vector<1x128xf32>
    %add3A_36 = vector.broadcast %get3A_35 : vector<1x128xf32> to vector<20000x128xf32>
    %add3A_37 = arith.addf %mul3A_32, %add3A_36 : vector<20000x128xf32>
    %max3A = arith.constant 0.000000e+00 : f32
    %max3A_38 = vector.broadcast %max3A : f32 to vector<20000x128xf32>
    %max3A_39 = arith.maximumf %add3A_37, %max3A_38 : vector<20000x128xf32>
    %get3A_40 = arith.constant 0 : index
    %get3A_41 = arith.constant 0 : index
    %get3A_42 = vector.load %arg2[%get3A_40, %get3A_41] : memref<10000x128xf32, #tpu.memory_space<vmem>>, vector<10000x128xf32>
    %slice3A = vector.extract_strided_slice %max3A_39 {offsets = [0, 0], sizes = [10000, 128], strides = [1, 1]} : vector<20000x128xf32> to vector<10000x128xf32>
    %mul3A_43 = arith.mulf %slice3A, %get3A_42 : vector<10000x128xf32>
    %slice3A_44 = vector.extract_strided_slice %max3A_39 {offsets = [10000, 0], sizes = [10000, 128], strides = [1, 1]} : vector<20000x128xf32> to vector<10000x128xf32>
    %mul3A_45 = arith.mulf %slice3A_44, %get3A_42 : vector<10000x128xf32>
    %concatenate3A = tpu.concatenate %mul3A_43, %mul3A_45 in 0 : vector<10000x128xf32>, vector<10000x128xf32> -> vector<20000x128xf32>
    %reduce_sum3A_46 = arith.constant dense<0.000000e+00> : vector<128xf32>
    %reduce_sum3A_47 = vector.multi_reduction <add>, %concatenate3A, %reduce_sum3A_46 [0] : vector<20000x128xf32> to vector<128xf32>
    %broadcast_in_dim3A_48 = vector.shape_cast %reduce_sum3A_47 : vector<128xf32> to vector<1x128xf32>
    %div3A_49 = arith.constant 2.000000e+04 : f32
    %div3A_50 = vector.broadcast %div3A_49 : f32 to vector<1x128xf32>
    %div3A_51 = arith.divf %broadcast_in_dim3A_48, %div3A_50 : vector<1x128xf32>
    %sub3A_52 = vector.broadcast %div3A_51 : vector<1x128xf32> to vector<20000x128xf32>
    %sub3A_53 = arith.subf %concatenate3A, %sub3A_52 : vector<20000x128xf32>
    %integer_pow3A_54 = arith.mulf %sub3A_53, %sub3A_53 : vector<20000x128xf32>
    %reduce_sum3A_55 = arith.constant dense<0.000000e+00> : vector<128xf32>
    %reduce_sum3A_56 = vector.multi_reduction <add>, %integer_pow3A_54, %reduce_sum3A_55 [0] : vector<20000x128xf32> to vector<128xf32>
    %broadcast_in_dim3A_57 = vector.shape_cast %reduce_sum3A_56 : vector<128xf32> to vector<1x128xf32>
    %div3A_58 = arith.constant 2.000000e+04 : f32
    %div3A_59 = vector.broadcast %div3A_58 : f32 to vector<1x128xf32>
    %div3A_60 = arith.divf %broadcast_in_dim3A_57, %div3A_59 : vector<1x128xf32>
    %sub3A_61 = vector.broadcast %div3A_51 : vector<1x128xf32> to vector<20000x128xf32>
    %sub3A_62 = arith.subf %concatenate3A, %sub3A_61 : vector<20000x128xf32>
    %add3A_63 = arith.constant 9.99999974E-6 : f32
    %add3A_64 = vector.broadcast %add3A_63 : f32 to vector<1x128xf32>
    %add3A_65 = arith.addf %div3A_60, %add3A_64 : vector<1x128xf32>
    %sqrt3A_66 = math.sqrt %add3A_65 : vector<1x128xf32>
    %div3A_67 = vector.broadcast %sqrt3A_66 : vector<1x128xf32> to vector<20000x128xf32>
    %div3A_68 = arith.divf %sub3A_62, %div3A_67 : vector<20000x128xf32>
    %get3A_69 = arith.constant 0 : index
    %get3A_70 = arith.constant 0 : index
    %get3A_71 = vector.load %arg5[%get3A_69, %get3A_70] : memref<1x128xf32, #tpu.memory_space<vmem>>, vector<1x128xf32>
    %mul3A_72 = vector.broadcast %get3A_71 : vector<1x128xf32> to vector<20000x128xf32>
    %mul3A_73 = arith.mulf %div3A_68, %mul3A_72 : vector<20000x128xf32>
    %get3A_74 = arith.constant 0 : index
    %get3A_75 = arith.constant 0 : index
    %get3A_76 = vector.load %arg6[%get3A_74, %get3A_75] : memref<1x128xf32, #tpu.memory_space<vmem>>, vector<1x128xf32>
    %add3A_77 = vector.broadcast %get3A_76 : vector<1x128xf32> to vector<20000x128xf32>
    %add3A_78 = arith.addf %mul3A_73, %add3A_77 : vector<20000x128xf32>
    %max3A_79 = arith.constant 0.000000e+00 : f32
    %max3A_80 = vector.broadcast %max3A_79 : f32 to vector<20000x128xf32>
    %max3A_81 = arith.maximumf %add3A_78, %max3A_80 : vector<20000x128xf32>
    %get3A_82 = arith.constant 0 : index
    %get3A_83 = arith.constant 0 : index
    %get3A_84 = vector.load %arg7[%get3A_82, %get3A_83] : memref<1x128xf32, #tpu.memory_space<vmem>>, vector<1x128xf32>
    %mul3A_85 = vector.broadcast %get3A_84 : vector<1x128xf32> to vector<20000x128xf32>
    %mul3A_86 = arith.mulf %max3A_81, %mul3A_85 : vector<20000x128xf32>
    %reduce_sum3A_87 = arith.constant dense<0.000000e+00> : vector<20000xf32>
    %reduce_sum3A_88 = vector.multi_reduction <add>, %mul3A_86, %reduce_sum3A_87 [1] : vector<20000x128xf32> to vector<20000xf32>
    %broadcast_in_dim3A_89 = vector.shape_cast %reduce_sum3A_88 : vector<20000xf32> to vector<20000x1xf32>
    %swap3A = arith.constant 0 : index
    %swap3A_90 = arith.constant 0 : index
    %swap3A_91 = vector.load %arg8[%swap3A, %swap3A_90] : memref<20000x1xf32, #tpu.memory_space<vmem>>, vector<20000x1xf32>
    tpu.vector_store %arg8[%swap3A, %swap3A_90], %broadcast_in_dim3A_89 {strides = array<i32>} : memref<20000x1xf32, #tpu.memory_space<vmem>>, vector<20000x1xf32>,
    return
  }
}

</mosaic_0001>

<sc_bundles>
// kernel: scatter_offload_async_start.1
scs
__scs_entry_jumppad:
0x0: {  	(pc) =	sbr.rel $0x88, $3  }
0x1: {  	(tag) =	ssettag $0x0;
	lr =	simm.s32 $0x1  }
0x2: {  	[smem:$0x3F96] =	sst lr;
	_ =	strace $0xD0000000  }
0x3: {  	_ = 	snop  }
0x4: {  	_ = 	snop  }
0x5: {  	_ = 	snop  }
0x6: {  	_ = 	snop  }
0x7: {  	_ = 	snop  }
__scs_overlays_trampoline_lowered:
0x8: {  	[smem:$0x3FA5] =	sst s0  }
0x9: {  	[smem:$0x3FA6] =	sst s1  }
0xa: {  	[smem:$0x3FA7] =	sst s2  }
0xb: {  	[smem:$0x3FA8] =	sst s3  }
0xc: {  	[smem:$0x3FA9] =	sst s4  }
0xd: {  	[smem:$0x3FAA] =	sst s5  }
0xe: {  	[smem:$0x3FAB] =	sst s6  }
0xf: {  	[smem:$0x3FAC] =	sst s7  }
0x10: {  	[smem:$0x3FAD] =	sst s8  }
0x11: {  	[smem:$0x3FAE] =	sst s9;
	s0 =	simm.s32 @!p0 $0x0  }
0x12: {  	s1 =	sld [smem:$0x3F94];
	s0 =	simm.s32 @p0 $0x1  }
0x13: {  	[smem:$0x3FAF] =	sst s0;
	s0 =	simm.s32 @!p1 $0x0  }
0x14: {  	s2 =	sld [smem:$0x3F93];
	s0 =	simm.s32 @p1 $0x1  }
0x15: {  	[smem:$0x3FB0] =	sst s0;
	s0 =	simm.s32 @!p2 $0x0  }
0x16: {  	s3 =	sld [smem:$0x3FDB];
	s0 =	simm.s32 @p2 $0x1  }
0x17: {  	s4 =	simm.s32 $0x1BF5;
	[smem:$0x3FB2] =	sst s0  }
0x18: {  	s0 =	sld [smem:$0x3F95];
	_ =	swait.ge [sflag:s4], $0x0  }
0x19: {  	s7 =	sld [smem:$0x3F96]  }
0x1a: {  	s8 =	sadd.s32 $0xFFFFE003, lr  }
0x1b: {  	s9 =	sadd.s32 $0xFFFFFEF7, lr;
	s5 =	simm.s32 $0xFFFFFFFF;
	p2 =	slt.u32 s8, $0xFFFFF086  }
0x1c: {  	p1 =	slt.u32 s9, $0xF7A;
	s5 =	simm.s32 @!p2 $0x0  }
0x1d: {  	s5 =	simm.s32 @p1 $0x1;
	p0 =	seq.s32 s7, s2  }
0x1e: {  	s7 =	smul.u32 @!p0 $0xF7A, s2;
	p2 =	seq.s32 @!p0 s5, $0x0  }
0x1f: {  	s9 =	smul.u32 $0xF7A, s1;
	s8 =	simm.s32 @!p0 $0x1BF5;
	p2 =	por !p2, p0  }
0x20: {  	[sflag:s8] =	ssyncset.s32 @!p0 $0xFFFFF086;
	s6 =	sadd.s32 @!p0 s3, s7;
	s7 =	simm.s32 @!p0 $0x108  }
0x21: {  	s3 =	sadd.s32 s3, s9;
	s6 =	sadd.s32 @!p0 $0x88, s6;
	s7 =	simm.s32 @p2 $0x1082  }
0x22: {  	[simem:s7], [sflag:s8] =	dma.local @!p0 [hbm:s6], $0xF7A  }
0x23: {  	s9 =	sor.u32 $0xD0000000, s2;
	s6 =	simm.s32 $0x108;
	_ =	swait.ge @!p0 [sflag:s8], $0x0  }
0x24: {  	s3 =	sadd.s32 $0x88, s3;
	s6 =	simm.s32 @!p1 $0x1082;
	[sflag:s4] =	ssyncset.s32 $0xFFFFF086  }
0x25: {  	[simem:s6], [sflag:s4] =	dma.local [hbm:s3], $0xF7A  }
0x26: {  	[smem:$0x3F96] =	sst s1;
	(tag) =	ssettag s2;
	_ =	strace s9  }
0x27: {  	s1 =	sld [smem:$0x3FA6]  }
0x28: {  	s2 =	sld [smem:$0x3FA7]  }
0x29: {  	s4 =	sld [smem:$0x3FA9]  }
0x2a: {  	p0 =	seq.s32 s5, $0x0;
	s5 =	sld [smem:$0x3FAA]  }
0x2b: {  	s6 =	sld [smem:$0x3FAB]  }
0x2c: {  	s7 =	sld [smem:$0x3FAC]  }
0x2d: {  	s3 =	simm.s32 $0x108;
	s8 =	sld [smem:$0x3FAD]  }
0x2e: {  	s3 =	simm.s32 @!p0 $0x1082;
	s9 =	sld [smem:$0x3FAE]  }
0x2f: {  	lr =	sadd.s32 s0, s3;
	s0 =	sld [smem:$0x3FA5]  }
0x30: {  	s3 =	sld [smem:$0x3FA8]  }
0x31: {  	[smem:$0x3FB1] =	sst s10  }
0x32: {  	s10 =	sld [smem:$0x3FAF];
	_ =	sdelay $0x3  }
0x33: {  	p0 =	seq.s32 s10, $0x1;
	s10 =	sld [smem:$0x3FB1];
	_ =	sdelay $0x3  }
0x34: {  	[smem:$0x3FB1] =	sst s10  }
0x35: {  	s10 =	sld [smem:$0x3FB0];
	_ =	sdelay $0x3  }
0x36: {  	p1 =	seq.s32 s10, $0x1;
	s10 =	sld [smem:$0x3FB1];
	_ =	sdelay $0x3  }
0x37: {  	[smem:$0x3FB1] =	sst s10  }
0x38: {  	s10 =	sld [smem:$0x3FB2]  }
0x39: {  	_ = 	snop;
	(pc) =	sbr.ind lr, $3  }
0x3a: {  	_ = 	snop  }
0x3b: {  	_ = 	snop  }
0x3c: {  	p2 =	seq.s32 s10, $0x1;
	s10 =	sld [smem:$0x3FB1]  }
0x3d: {  	_ =	shalt  }
0x3e: {  	_ =	shalt  }
0x3f: {  	_ =	shalt  }
0x40: {  	_ =	shalt  }
0x41: {  	_ =	shalt  }
0x42: {  	_ =	shalt  }
0x43: {  	_ =	shalt  }
0x44: {  	_ =	shalt  }
0x45: {  	_ =	shalt  }
0x46: {  	_ =	shalt  }
0x47: {  	_ =	shalt  }
0x48: {  	_ =	shalt  }
0x49: {  	_ =	shalt  }
0x4a: {  	_ =	shalt  }
0x4b: {  	_ =	shalt  }
0x4c: {  	_ =	shalt  }
0x4d: {  	_ =	shalt  }
0x4e: {  	_ =	shalt  }
0x4f: {  	_ =	shalt  }
0x50: {  	_ =	shalt  }
0x51: {  	_ =	shalt  }
0x52: {  	_ =	shalt  }
0x53: {  	_ =	shalt  }
0x54: {  	_ =	shalt  }
0x55: {  	_ =	shalt  }
0x56: {  	_ =	shalt  }
0x57: {  	_ =	shalt  }
0x58: {  	_ =	shalt  }
0x59: {  	_ =	shalt  }
0x5a: {  	_ =	shalt  }
0x5b: {  	_ =	shalt  }
0x5c: {  	_ =	shalt  }
0x5d: {  	_ =	shalt  }
0x5e: {  	_ =	shalt  }
0x5f: {  	_ =	shalt  }
0x60: {  	_ =	shalt  }
0x61: {  	_ =	shalt  }
0x62: {  	_ =	shalt  }
0x63: {  	_ =	shalt  }
0x64: {  	_ =	shalt  }
0x65: {  	_ =	shalt  }
0x66: {  	_ =	shalt  }
0x67: {  	_ =	shalt  }
0x68: {  	_ =	shalt  }
0x69: {  	_ =	shalt  }
0x6a: {  	_ =	shalt  }
0x6b: {  	_ =	shalt  }
0x6c: {  	_ =	shalt  }
0x6d: {  	_ =	shalt  }
0x6e: {  	_ =	shalt  }
0x6f: {  	_ =	shalt  }
0x70: {  	_ =	shalt  }
0x71: {  	_ =	shalt  }
0x72: {  	_ =	shalt  }
0x73: {  	_ =	shalt  }
0x74: {  	_ =	shalt  }
0x75: {  	_ =	shalt  }
0x76: {  	_ =	shalt  }
0x77: {  	_ =	shalt  }
0x78: {  	_ =	shalt  }
0x79: {  	_ =	shalt  }
0x7a: {  	_ =	shalt  }
0x7b: {  	_ =	shalt  }
0x7c: {  	_ =	shalt  }
0x7d: {  	_ =	shalt  }
0x7e: {  	_ =	shalt  }
0x7f: {  	_ =	shalt  }
0x80: {  	_ =	shalt  }
0x81: {  	_ =	shalt  }
0x82: {  	_ =	shalt  }
0x83: {  	_ =	shalt  }
0x84: {  	_ =	shalt  }
0x85: {  	_ =	shalt  }
0x86: {  	_ =	shalt  }
0x87: {  	_ =	shalt  }
.Lfunc_end0:
.L_simem_size_0:
called_computation.1_lowered:
.L_overlay_start_0:
0x88: {  	s0 =	sld [smem:$0x3FD9]  }
0x89: {  	s1 =	sld [smem:$0x3FFE];
	_ =	sdelay $0x3  }
0x8a: {  	s0 =	sadd.s32 s1, s0  }
0x8b: {  	[smem:$0x3FBD] =	sst s0  }
0x8c: {  	_ = 	snop  }
0x8d: {  	(tm) =	ssettm $0x1  }
0x8e: {  	s15 =	sld [smem:$0x3FFB];
	_ =	sdelay $0x3  }
0x8f: {  	_ =	strace s15  }
0x90: {  	s0 =	sld [smem:$0x3FFC];
	_ =	sdelay $0x3  }
0x91: {  	_ =	strace s0  }
0x92: {  	s0 =	sld [smem:$0x3FFD];
	_ =	sdelay $0x3  }
0x93: {  	_ =	strace s0  }
0x94: {  	_ =	strace $0x8FFFFFFF  }
0x95: {  	s16 =	sld [smem:$0x3FDB];
	_ =	sdelay $0x1  }
0x96: {  	s17 =	simm.s32 $_scs_section_size  }
0x97: {  	s2 =	simm.s32 $_size__tile_overlayer_lowered;
	s3 =	simm.s32 $_tile_overlayer_lowered  }
0x98: {  	s20 =	simm.s32 $0x1BFF;
	s19 =	sshll.u32 s3, $0x1;
	s0 =	sadd.s32 s17, s16  }
0x99: {  	s4 =	simm.s32 $0x0;
	s18 =	sshll.u32 s2, $0x1;
	s2 =	sadd.s32 s19, s0  }
0x9a: {  	[timem:s4], [sflag:s20] =	dma.local [hbm:s2], s18  }
0x9b: {  	_ =	swait.ge [sflag:s20], s18  }
0x9c: {  	s1 =	ssub.s32 $0x0, s18;
	[sflag:s20] =	ssyncset.done $0x0  }
0x9d: {  	[sflag:s20] =	ssyncadd.s32 s1;
	_ =	sdelay $0x1  }
0x9e: {  	s21 =	simm.s32 $0x1B8B  }
0x9f: {  	_ =	swait.ge [sflag:s21], $0x1  }
0xa0: {  	[sflag:s21] =	ssyncset.done $0x0  }
0xa1: {  	s23 =	simm.s32 $0x1B8E;
	s22 =	sld [smem:$0x3FFE];
	[sflag:s21] =	ssyncadd.s32 $0xFFFFFFFF  }
0xa2: {  	s24 =	simm.s32 $execute0_lowered;
	[smem:$0x3FD2] =	sst s23  }
0xa3: {  	s2 =	sshll.u32 s24, $0x1;
	_ =	strace $0x80000049;
	[dreg:$0x1] =	wrdreg $0xFFFFFFFF  }
0xa4: {  	s25 =	simm.s32 $_size_execute0_lowered;
	s0 =	sadd.s32 s0, s2;
	[dreg:$0x0] =	wrdreg $0x0  }
0xa5: {  	s2 =	sshll.u32 s25, $0x1;
	[dreg:$0x2] =	wrdreg s0  }
0xa6: {  	[dreg:$0x3] =	wrdreg s2  }
0xa7: {  	[dreg:$0x4] =	wrdreg $0xC0  }
0xa8: {  	_ =	task [dreg:s4], $0x5FFFF  }
0xa9: {  	[dreg:$0x1] =	wrdreg $0xFFFFFFFF  }
0xaa: {  	[dreg:$0x0] =	wrdreg $0x60  }
0xab: {  	[dreg:$0x2] =	wrdreg s22  }
0xac: {  	[dreg:$0x3] =	wrdreg $0x9  }
0xad: {  	_ =	task.clear_ibuf [dreg:s4], $0x4FFFF;
	_ =	strace $0x90000049  }
0xae: {  	s26 =	simm.s32 $0x9;
	_ =	strace $0x8000004B  }
0xaf: {  	_ =	swait.ge [sflag:s26], $0x1  }
0xb0: {  	[sflag:s26] =	ssyncadd.s32 $0xFFFFFFFF  }
0xb1: {  	_ =	strace $0x9000004B  }
0xb2: {  	_ =	sfence  }
0xb3: {  	s28 =	sld [smem:$0x0];
	_ =	sdelay $0x1  }
0xb4: {  	s29 =	srdreg.scid  }
0xb5: {  	s30 =	sshll.u32 s29, $0xD;
	s31 =	sshrl.u32 s29, $0x2  }
0xb6: {  	s1 =	sand.u32 $0x1, s29;
	s2 =	sand.u32 $0x4000, s30;
	s0 =	sadd.s32 s31, s28  }
0xb7: {  	s1 =	sor.u32 s2, s1;
	s0 =	sshll.u32 s0, $0x11  }
0xb8: {  	s0 =	sor.u32 s0, s1  }
0xb9: {  	s0 =	sadd.s32 $0x8F2B, s0  }
0xba: {  	[sflag:s0] =	ssyncadd.remote.s32 $0x1  }
0xbb: {  	_ =	sfence.sel $0xFFFF  }
0xbc: {  	[dreg:$0x0] =	wrdreg $0xFFFFFFFF;
	(pc) =	sbr.abs _section_cstart, $3  }
0xbd: {  	[dreg:$0x1] =	wrdreg $0xFFFFFFFF  }
0xbe: {  	_ =	task.clear_ibuf [dreg:s4], $0x2FFFF;
	_ =	strace $0x9FFFFFFF  }
0xbf: {  	(tm) =	ssettm $0x7FFFFFFF  }
tec
execute0_lowered:
.L_overlay_start_1:
0x0: {  	(tag) =	ssettag $0x1  }
0x1: {  	s0 =	rddreg [dreg:$0x0];
	_ =	strace $0x8000004A;
	s15 =	stileid.u32  }
0x2: {  	s2 =	simm.s32 $0x1;
	s1 =	smin.u32 s15, $0x8;
	s3 =	sshll.u32 s15, $0x1  }
0x3: {  	v1 =	vimm.s32 $0xFFFFFFFF;
	[sflag:s2] =	ssyncpa.u1 $0x0;
	s1 =	sadd.s32 s1, s3  }
0x4: {  	p0 =	slt.u32 s15, $0x8;
	[tilespmem:$0x10] =	vst v1;
	s4 =	smul.u32 $0x1F40, s1;
	s1 =	simm.s32 $0x5DC0  }
0x5: {  	v0 =	vimm.f32 $0.0e+00;
	[tilespmem:$0x20] =	vst v1;
	s1 =	simm.s32 @!p0 $0x3E80  }
0x6: {  	[tilespmem:$0x30] =	vst v0;
	s1 =	sadd.s32 s1, s4  }
0x7: {  	[tilespmem:$0x40] =	vst v0;
	s5 =	smin.u32 s1, $0x4E200  }
0x8: {  	s7 =	simm.s32 $0x2;
	s8 =	simm.s32 $0x8;
	[tilespmem:$0x50] =	vst v0;
	s9 =	ssub.s32 s5, s4  }
0x9: {  	s31 =	simm.s32 $0x9;
	s16 =	simm.s32 $0x0;
	[tilespmem:$0x60] =	vst v1;
	p0 =	sgt.s32 s9, $0x0  }
0xa: {  	s17 =	simm.s32 $0xF0;
	s18 =	simm.s32 $0xFFFFFFFF;
	[tilespmem:$0x70] =	vst v1;
	s9 =	simm.s32 @!p0 $0x0  }
0xb: {  	s19 =	simm.s32 $0xFFFFC280;
	s20 =	simm.s32 $0xFFFFFFFE;
	[tilespmem:$0x80] =	vst v1;
	s30 =	smulhi.u32 $0x10624DD3, s9  }
0xc: {  	s21 =	simm.s32 $0xF;
	s25 =	simm.s32 $0x0;
	s24 =	simm.s32 $0x0;
	v1 =	vimm.s32 $0x0;
	[tilespmem:$0xB0] =	vst v0  }
0xd: {  	s6 =	sadd.s32 $0x75E00, s0;
	s15 =	sshllo.u32 s15, $0x1;
	[tilespmem:$0x90] =	vst v1;
	s10 =	sshrl.u32 s30, $0x9  }
0xe: {  	[tilespmem:$0xA0] =	vst v1;
	[sflag:s7] =	ssyncpa.u1 $0x0;
	s7 =	simm.s32 $0x7;
	s11 =	smul.u32 $0x1F40, s10  }
.Ltmp0:
0xf: {  	s13 =	sor.u32 $0x80, s3;
	[sflag:s7] =	ssyncpa.u1 $0x0;
	(pc) =	sbr.rel .LBB2_1-.Ltmp0, $4  }
0x10: {  	s14 =	sor.u32 $0x81, s3;
	[sflag:s8] =	ssyncpa.u1 $0x0;
	p0 =	sne.s32 s9, s11  }
0x11: {  	s23 =	smov.u32 s4;
	s1 =	sadd.s32 $0x89A00, s0;
	s2 =	simm.s32 @!p0 $0x0  }
0x12: {  	vm0 =	vmmov $0xffff;
	v2 =	vlaneseq.u32;
	[sflag:s31] =	ssyncpa.u1 $0x0;
	s9 =	sadd.s32 $0x7FC00, s0;
	s10 =	sadd.s32 s2, s10  }
0x13: {  	vm1 =	vmxor vm1, vm1;
	vm2 =	vmmov $0x1;
	vm3 =	vcmask $0x3F3C;
	p0 =	por $0x0, $0x0;
	s11 =	sadd.s32 $0x1, s10;
	s12 =	sadd.s32 $0x2, s10  }
.LBB2_9:
0x14: {  	p1 =	slt.u32 s24, $0x3  }
0x15: {  	s0 =	simm.s32 @!p1 $0x2  }
0x16: {  	_ =	swait.ge @!p1 [sflag:s0], $0x1F40  }
0x17: {  	[sflag:s0] =	ssyncset.done @!p1 $0x0  }
0x18: {  	[sflag:s0] =	ssyncadd.s32 @!p1 $0xFFFFE0C0;
	s0 =	simm.s32 @!p1 $0x9  }
0x19: {  	_ =	swait.ge @!p1 [sflag:s0], $0x10  }
0x1a: {  	[sflag:s0] =	ssyncset.done @!p1 $0x0  }
0x1b: {  	[sflag:s0] =	ssyncadd.s32 @!p1 $0xFFFFFFF0;
	p1 =	sne.s32 s24, s12  }
.Ltmp1:
0x1c: {  	s2 =	sadd.s32 $0x1F40, s23;
	(pc) =	sbr.rel @!p1 .LBB2_10-.Ltmp1, $4  }
0x1d: {  	s22 =	smov.u32 s4;
	s31 =	sadd.s32 $0x1, s24;
	s17 =	sadd.s32 $0x1F40, s17  }
0x1e: {  	s18 =	sadd.s32 $0x1, s18;
	s25 =	smov.u32 s23;
	p2 =	slt.s32 s2, s5  }
0x1f: {  	p0 =	por !p0, !p0;
	s19 =	sadd.s32 $0x1F40, s19;
	s22 =	smov.u32 @p2 s2  }
0x20: {  	s20 =	sadd.s32 $0x1, s20;
	s23 =	smov.u32 s22;
	s24 =	smov.u32 s31  }
.LBB2_1:
0x21: {  	p1 =	sge.u32 s24, s10  }
0x22: {  	s0 =	smulhi.u32 @!p1 $0xAAAAAAAB, s24;
	_ =	sdelay $0x1  }
0x23: {  	s0 =	sshrl.u32 @!p1 s0, $0x1  }
0x24: {  	s0 =	smul.u32 @!p1 $0x3, s0;
	_ =	sdelay $0x1  }
0x25: {  	s0 =	ssub.s32 @!p1 s24, s0  }
0x26: {  	s0 =	smul.u32 @!p1 $0x7D00, s0;
	_ =	sdelay $0x1  }
0x27: {  	s2 =	sshrl.u32 @!p1 s23, $0x3;
	s0 =	sshrl.u32 @!p1 s0, $0x2  }
0x28: {  	s22 =	sand.u32 @!p1 $0x7, s23;
	s2 =	sadd.s32 @!p1 s6, s2;
	s0 =	sadd.s32 @!p1 $0x100, s0  }
0x29: {  	[tilespmem:s0], [sflag:$0x7] =	stream.linear.gather @!p1 [hbm4b:s2+s22], $0x1F40, $0x38;
	[tilespmem:$0x11A60] =	vst v63  }
0x2a: {  	s0 =	sadd.s32 $0xFFFFFFFF, s24  }
0x2b: {  	p1 =	sge.u32 s0, s10  }
.Ltmp2:
0x2c: {  	_ = 	snop;
	(pc) =	sbr.rel @p1 .LBB2_5-.Ltmp2, $1  }
0x2d: {  	_ =	sdelay $0x3  }
0x2e: {  	s2 =	smulhi.u32 $0xAAAAAAAB, s0;
	_ =	sdelay $0x1  }
0x2f: {  	s2 =	sshrl.u32 s2, $0x1  }
0x30: {  	s2 =	smul.u32 $0x3, s2;
	_ =	sdelay $0x1  }
0x31: {  	s2 =	ssub.s32 s0, s2  }
0x32: {  	s2 =	smul.u32 $0x7D00, s2  }
0x33: {  	_ =	swait.ge [sflag:s7], $0x1F40  }
0x34: {  	[sflag:s7] =	ssyncset.done $0x0;
	s2 =	sshrl.u32 s2, $0x2  }
0x35: {  	[sflag:s7] =	ssyncadd.s32 $0xFFFFE0C0;
	(ifvalue) =	ssetifvalue $0xFFFFFFFF;
	v3 =	vld.msk [tilespmem:s2+$0x100 ss:$0x1], $0xffff;
	_ =	sdelay $0x2  }
0x36: {  	s30 =	smulhi.u32 $0xAAAAAAAB, s18;
	p1 =	sne.s32 s24, $0x1  }
0x37: {  	v4 =	vimm.s32 @!p1 $0x0  }
0x38: {  	s2 =	sshrl.u32 s30, $0x1;
	v4 =	vperm.xlane @!p1 v3, v4  }
0x39: {  	s22 =	sshll.u32 s24, $0x4;
	s2 =	smul.u32 $0xFFFE8900, s2;
	vm4 =	vlt.u32 v3, $0x5000  }
0x3a: {  	s22 =	sand.u32 $0x10, s22;
	v3 =	vnsel vm4, $0xFFFFFFFE, v3;
	vm4 =	vlt.u32 @!p1 v4, $0x5000  }
0x3b: {  	s2 =	sshra.s32 s2, $0x2;
	[tilespmem:s22+$0x60] =	vst v3;
	v3 =	vnsel @!p1 vm4, $0xFFFFFFFE, v4  }
0x3c: {  	s28 =	sadd.s32 s2, s17;
	[tilespmem:$0x80] =	vst @!p1 v3  }
0x3d: {  	v3 =	vld.msk [tilespmem:s28+$0x0 ss:$0x1], $0xffff;
	_ =	sdelay $0x4  }
0x3e: {  	(xrf1) =	vunique.msk.u32 $0xffff, v3;
	_ =	sdelay $0xd  }
0x3f: {  	v4 =	vimm.s32 $0xFFFFFFFF;
	v5, _, _ =	vpop (xrf1)  }
0x40: {  	vm5 =	vne.s32 v3, v4;
	vm4 =	veq.s32 v5, v2  }
0x41: {  	vm6 =	vlt.u32 v3, $0x5000;
	vm4 =	vmand vm5, vm4  }
0x42: {  	vm4 =	vmand vm6, vm4  }
0x43: {  	v4 =	vnsel vm4, $0xFFFFFFFF, v3  }
0x44: {  	s31 =	sand.u32 $0x1, s0  }
0x45: {  	s0 =	simm.s32 $0x1F40;
	p1 =	seq.s32 s31, $0x1  }
0x46: {  	s0 =	simm.s32 @!p1 $0x0  }
0x47: {  	s26 =	sadd.s32 $0x7DF0, s0;
	(ifvalue) =	ssetifvalue $0xFFFFFFFF  }
0x48: {  	v3 =	vperm.xlane v3, v1;
	[tilespmem:s26], [sflag:$0x8] =	stream.indirect_vreg.gather [hbm4b:s1+s16], $0x1, v4, vm0, $0x4038;
	v4 =	vnsel vm6, $0xFFFFFFFE, v4;
	[tilespmem:$0x11A60] =	vst v63  }
0x49: {  	s2 =	simm.s32 $0x0;
	s22 =	sadd.s32 $0xFFFFFFF0, s28;
	[tilespmem:s28+$0x0] =	vst v4  }
.LBB2_3:
0x4a: {  	v4 =	vld.msk [tilespmem:s22+$0x0 ss:$0x1], $0xffff;
	s2 =	sadd.s32 $0x10, s2;
	v5 =	vmov v3;
	s28 =	smov.u32 s22  }
0x4b: {  	p1 =	slt.u32 s2, $0x1F30;
	_ =	sdelay $0x4  }
0x4c: {  	v3 =	vperm.xlane v4, v1;
	(xrf1) =	vunique.msk.u32 $0xffff, v4;
	_ =	sdelay $0xd  }
0x4d: {  	v6, _, _ =	vpop (xrf1)  }
0x4e: {  	vm5 =	vne.s32 v4, v5;
	vm4 =	veq.s32 v6, v2  }
0x4f: {  	vm6 =	vlt.u32 v4, $0x5000;
	vm4 =	vmand vm5, vm4  }
0x50: {  	vm4 =	vmand vm6, vm4  }
0x51: {  	v4 =	vnsel vm4, $0xFFFFFFFF, v4  }
.Ltmp3:
0x52: {  	v5 =	vnsel vm6, $0xFFFFFFFE, v4;
	(pc) =	sbr.rel @p1 .LBB2_3-.Ltmp3, $3  }
0x53: {  	_ =	sdelay $0x1  }
0x54: {  	s22 =	sadd.s32 $0xFFFFFFF0, s22;
	s26 =	sadd.s32 $0xFFFFFFF0, s26;
	(ifvalue) =	ssetifvalue $0xFFFFFFFF  }
0x55: {  	[tilespmem:s26], [sflag:$0x8] =	stream.indirect_vreg.gather [hbm4b:s1+s16], $0x1, v4, vm0, $0x4038;
	[tilespmem:s28+$0x0] =	vst v5  }
0x56: {  	s2 =	sshrl.u32 s25, $0x3  }
0x57: {  	s0 =	sadd.s32 $0x9D40, s0;
	s2 =	sadd.s32 s9, s2  }
0x58: {  	[tilespmem:s0], [sflag:$0x8] =	stream.linear.gather [hbm:s2], $0x1F40, $0x38;
	[tilespmem:$0x11A60] =	vst v63  }
.LBB2_5:
0x59: {  	p1 =	slt.u32 s24, $0x2  }
0x5a: {  	p2 =	sge.u32 @!p1 s24, s12  }
0x5b: {  	p1 =	por p1, p2  }
.Ltmp4:
0x5c: {  	_ = 	snop;
	(pc) =	sbr.rel @p1 .LBB2_9-.Ltmp4, $1  }
0x5d: {  	_ =	sdelay $0x3  }
0x5e: {  	s0 =	sadd.s32 $0xFFFFFFFE, s24  }
0x5f: {  	s2 =	smulhi.u32 $0xAAAAAAAB, s0;
	_ =	sdelay $0x1  }
0x60: {  	s2 =	sshrl.u32 s2, $0x1  }
0x61: {  	s2 =	smul.u32 $0x3, s2;
	_ =	sdelay $0x1  }
0x62: {  	s0 =	ssub.s32 s0, s2  }
0x63: {  	_ =	swait.ge [sflag:s8], $0x3E80;
	s0 =	smul.u32 $0x1F40, s0  }
0x64: {  	p1 =	sne.s32 s24, s11;
	[sflag:s8] =	ssyncset.done $0x0  }
0x65: {  	[sflag:s8] =	ssyncadd.s32 $0xFFFFC180;
	s2 =	sadd.s32 @!p1 $0x203F, s0  }
0x66: {  	[spmem:s14] =	stream.linear.scatter @!p1 [tilespmem:s2], [sflag:$0x1], $0x1, $0x38;
	[tilespmem:$0x11A60] =	vst v63  }
0x67: {  	s2 =	simm.s32 @!p1 $0x1  }
0x68: {  	_ =	swait.ge @!p1 [sflag:s2], $0x1  }
0x69: {  	s22 =	sshll.u32 s24, $0x4;
	[sflag:s2] =	ssyncset.done @!p1 $0x0  }
0x6a: {  	s25 =	sand.u32 $0x10, s22;
	[sflag:s2] =	ssyncadd.s32 @!p1 $0xFFFFFFFF  }
0x6b: {  	s2 =	sxor.u32 $0x10, s25;
	v4 =	vld [tilespmem:s25+$0x10]  }
0x6c: {  	v5 =	vld [tilespmem:s2+$0x60]  }
0x6d: {  	v3 =	vld [tilespmem:$0x80];
	_ =	sdelay $0x2  }
0x6e: {  	(v2sf) =	vpush v4, $0x0  }
0x6f: {  	(v2sf) =	vpush v5, $0x0  }
0x70: {  	(v2sf) =	vpush v3, $0x0;
	_ =	sdelay $0xc  }
0x71: {  	s22 =	spop (v2sf)  }
0x72: {  	s26 =	spop (v2sf)  }
0x73: {  	s28 =	spop (v2sf)  }
0x74: {  	p2 =	seq.s32 s22, s26;
	p3 =	seq.s32 s28, s22  }
0x75: {  	p3 =	por p2, p3  }
0x76: {  	s26 =	sand.u32 $0x1, s24;
	v4 =	vpsel p3, $0xFFFFFFFF, v4  }
0x77: {  	s29 =	smul.u32 $0x1F40, s26;
	[tilespmem:s25+$0x10] =	vst.msk $0x1, v4  }
0x78: {  	v4 =	vld [tilespmem:$0x30]  }
0x79: {  	v5 =	vld [tilespmem:s29+$0x9D40]  }
0x7a: {  	v6 =	vld [tilespmem:s25+$0x40];
	_ =	sdelay $0x3  }
0x7b: {  	vm4 =	vmmov vm1;
	v5 =	vadd.f32 v5, v4  }
0x7c: {  	vm5 =	vmmov vm2;
	vm4 =	vmmov @p2 vm2;
	s22 =	sshll.u32 s26, $0x4;
	v4 =	vadd.f32 v6, v4  }
0x7d: {  	s26 =	sor.u32 $0x11A40, s22;
	vm5 =	vmmov @p3 vm1;
	[tilespmem:s29+$0x9D40] =	vst.msk vm4, v5  }
0x7e: {  	[tilespmem:s26+$0x0] =	vst.msk vm5, v4  }
0x7f: {  	v4 =	vld [tilespmem:s29+$0x7DF0];
	_ =	sdelay $0x3  }
0x80: {  	v5 =	vimm.f32 $0.0e+00  }
0x81: {  	v4 =	vshift.insert v4, v5, s21  }
0x82: {  	s22 =	sor.u32 $0x40, s2  }
0x83: {  	[tilespmem:s22+$0x0] =	vst.msk $0x1, v4  }
0x84: {  	[tilespmem:s29+$0x7DFF] =	vst.msk $0x1, v5  }
0x85: {  	v4 =	vld [tilespmem:s0+$0x2030];
	_ =	sdelay $0x1  }
0x86: {  	s22 =	smulhi.u32 $0xAAAAAAAB, s20;
	s0 =	simm.s32 $0x1  }
0x87: {  	s0 =	simm.s32 @!p0 $0x0  }
0x88: {  	s22 =	sshrl.u32 s22, $0x1;
	s0 =	smul.u32 $0x7D00, s0  }
0x89: {  	s22 =	smul.u32 $0xFFFE8900, s22;
	v4 =	vshift.insert v4, v1, s21  }
0x8a: {  	s0 =	sshrl.u32 s0, $0x2  }
0x8b: {  	s22 =	sshra.s32 s22, $0x2;
	s30 =	sadd.s32 $0x9D40, s0;
	[tilespmem:s2+$0x10] =	vst.msk $0x1, v4  }
0x8c: {  	s22 =	sadd.s32 s22, s19;
	v6 =	vld [tilespmem:s30+$0x0]  }
0x8d: {  	v7 =	vld [tilespmem:s22+$0x0];
	_ =	sdelay $0x3  }
0x8e: {  	v5 =	vadd.f32 v6, v5  }
0x8f: {  	vm4 =	vne.s32 v7, $0xFFFFFFFF  }
0x90: {  	(xrf2) =	vadd.seg.scan.f32 vm4, v5;
	_ =	sdelay $0x3  }
0x91: {  	s31 =	sadd.s32 $0x5EC0, s0;
	v5 =	vperm.xlane v4, v1  }
0x92: {  	v6 =	vld [tilespmem:s31+$0x0]  }
0x93: {  	vm5 =	veq.s32 v7, v3;
	vm6 =	veq.s32 v7, v5  }
0x94: {  	vm7 =	vgt.u32 v7, $0xFFFFFFFD;
	vm6 =	vmor vm6, vm5  }
0x95: {  	vm6 =	vmor vm6, vm7  }
0x96: {  	v9 =	vld [tilespmem:$0xA0];
	v7 =	vsel vm6, $0xFFFFFFFF, v7  }
0x97: {  	v10 =	vld [tilespmem:$0x90];
	v6 =	vsel vm5, $0x0, v6;
	v8, _, _ =	vpop (xrf2)  }
0x98: {  	v6 =	vadd.f32 v8, v6  }
0x99: {  	s0 =	sadd.s32 $0xDBC0, s0  }
0x9a: {  	vm4 =	vmand vm4, vm3;
	[tilespmem:s0+$0x0] =	vst v6;
	(ifvalue) =	ssetifvalue $0xFFFFFFFF  }
0x9b: {  	vm6 =	veq.s32 v9, $0x1;
	[hbm4b:s1+s16] =	stream.indirect_vreg.scatter [tilespmem:s0], [sflag:$0x2], $0x1, v7, vm0, $0x4038;
	v7 =	vsel vm4, $0x0, v8;
	[tilespmem:$0x11A60] =	vst v63  }
0x9c: {  	s2 =	simm.s32 $0x0;
	s22 =	sadd.s32 $0x10, s22;
	vm4 =	vmor vm6, vm5;
	v6 =	vsel vm5, v8, v10;
	v7 =	vshift.insert v7, v0, s21  }
.LBB2_7:
0x9d: {  	v8 =	vld [tilespmem:s22+$0x0];
	s30 =	sadd.s32 $0x10, s30  }
0x9e: {  	s31 =	sadd.s32 $0x10, s31;
	v9 =	vld [tilespmem:s30+$0x0]  }
0x9f: {  	s2 =	sadd.s32 $0x10, s2;
	v10 =	vld [tilespmem:s31+$0x0]  }
0xa0: {  	p2 =	slt.u32 s2, $0x1F30;
	_ =	sdelay $0x2  }
0xa1: {  	v7 =	vadd.f32 v9, v7  }
0xa2: {  	vm5 =	vne.s32 v8, $0xFFFFFFFF  }
0xa3: {  	vm6 =	vmand vm5, vm3;
	(xrf2) =	vadd.seg.scan.f32 vm5, v7;
	_ =	sdelay $0x5  }
0xa4: {  	vm7 =	veq.s32 v8, v5;
	vm5 =	veq.s32 v8, v3  }
0xa5: {  	vm8 =	vgt.u32 v8, $0xFFFFFFFD;
	vm4 =	vmor vm4, vm5;
	vm7 =	vmor vm7, vm5  }
0xa6: {  	vm7 =	vmor vm7, vm8  }
0xa7: {  	v8 =	vsel vm7, $0xFFFFFFFF, v8  }
.Ltmp5:
0xa8: {  	v7 =	vsel vm5, $0x0, v10;
	v9, _, _ =	vpop (xrf2);
	(pc) =	sbr.rel @p2 .LBB2_7-.Ltmp5, $4  }
0xa9: {  	v6 =	vsel vm5, v9, v6;
	v10 =	vadd.f32 v9, v7;
	v7 =	vsel vm6, $0x0, v9  }
0xaa: {  	s0 =	sadd.s32 $0x10, s0;
	v7 =	vshift.insert v7, v0, s21  }
0xab: {  	s22 =	sadd.s32 $0x10, s22;
	[tilespmem:s0+$0x0] =	vst v10;
	(ifvalue) =	ssetifvalue $0xFFFFFFFF  }
0xac: {  	[hbm4b:s1+s16] =	stream.indirect_vreg.scatter [tilespmem:s0], [sflag:$0x2], $0x1, v8, vm0, $0x4038;
	[tilespmem:$0x11A60] =	vst v63  }
0xad: {  	v3 =	vld [tilespmem:s29+$0xFAF0];
	_ =	sdelay $0x4  }
0xae: {  	v3 =	vshift.insert v3, v0, s21  }
0xaf: {  	s0 =	simm.s32 $0x30  }
0xb0: {  	[tilespmem:s0+$0x0] =	vst.msk $0x1, v3  }
0xb1: {  	v3 =	vsel vm4, $0x1, v1;
	[tilespmem:$0x90] =	vst v6  }
0xb2: {  	s0 =	sadd.s32 @!p1 $0xFAFF, s29;
	[tilespmem:$0xA0] =	vst v3  }
0xb3: {  	[spmem:s15] =	stream.linear.scatter @!p1 [tilespmem:s0], [sflag:$0x1], $0x1, $0x38;
	[tilespmem:$0x11A60] =	vst v63  }
0xb4: {  	s0 =	simm.s32 @!p1 $0x1  }
0xb5: {  	v3 =	vmctz.xlane @!p1 vm4;
	_ =	swait.ge @!p1 [sflag:s0], $0x1  }
0xb6: {  	(v2sf) =	vpush @!p1 v4, $0x0  }
0xb7: {  	(v2sf) =	vpush @!p1 v3, $0x0;
	_ =	sdelay $0xd  }
0xb8: {  	s2 =	spop @!p1 (v2sf)  }
0xb9: {  	s22 =	spop @!p1 (v2sf)  }
0xba: {  	p2 =	sne.s32 @!p1 s28, s2;
	p3 =	slt.s32 @!p1 s22, $0xF  }
0xbb: {  	[sflag:s0] =	ssyncset.done @!p1 $0x0;
	p2 =	por p2, p1;
	p3 =	por !p3, p1  }
0xbc: {  	[sflag:s0] =	ssyncadd.s32 @!p1 $0xFFFFFFFF;
	v3 =	vimm.s32 @!p2 $0xFFFFFFFF;
	s22 =	simm.s32 @p3 $0xF  }
0xbd: {  	[tilespmem:$0x80] =	vst @!p2 v3;
	s2 =	sadd.s32 @!p1 $0x90, s22  }
0xbe: {  	[spmem:s3] =	stream.linear.scatter @!p1 [tilespmem:s2], [sflag:$0x1], $0x1, $0x38;
	[tilespmem:$0x11A60] =	vst v63  }
0xbf: {  	_ =	swait.ge @!p1 [sflag:s0], $0x1  }
0xc0: {  	[sflag:s0] =	ssyncset.done @!p1 $0x0  }
0xc1: {  	s2 =	simm.s32 @!p1 $0x80;
	[sflag:s0] =	ssyncadd.s32 @!p1 $0xFFFFFFFF  }
0xc2: {  	[spmem:s13] =	stream.linear.scatter @!p1 [tilespmem:s2], [sflag:$0x1], $0x1, $0x38;
	[tilespmem:$0x11A60] =	vst v63  }
0xc3: {  	_ =	swait.ge @!p1 [sflag:s0], $0x1  }
0xc4: {  	[sflag:s0] =	ssyncset.done @!p1 $0x0  }
0xc5: {  	[sflag:s0] =	ssyncadd.s32 @!p1 $0xFFFFFFFF;
	(ifvalue) =	ssetifvalue $0xFFFFFFFF;
	v3 =	vld [tilespmem:s25+$0x10];
	_ =	sdelay $0x3  }
.Ltmp6:
0xc6: {  	_ = 	snop;
	(pc) =	sbr.rel .LBB2_9-.Ltmp6, $3  }
0xc7: {  	_ =	sdelay $0x1  }
0xc8: {  	(ifvalue) =	ssetifvalue $0xFFFFFFFF  }
0xc9: {  	[hbm4b:s1+s16] =	stream.indirect_vreg.scatter [tilespmem:s26], [sflag:$0x9], $0x1, v3, vm0, $0x4038;
	[tilespmem:$0x11A60] =	vst v63  }
.LBB2_10:
0xca: {  	_ =	sfence.sel $0x180000  }
0xcb: {  	s0 =	simm.s32 $0x7;
	[bflag:$0x0] =	sbarrier.arrive $0xFFFF  }
0xcc: {  	s26 =	simm.s32 $0x8;
	[sflag:s0] =	ssyncpa.u1 $0x1  }
0xcd: {  	s28 =	simm.s32 $0x9;
	[sflag:s26] =	ssyncpa.u1 $0x1  }
0xce: {  	[sflag:s28] =	ssyncpa.u1 $0x1  }
0xcf: {  	_ =	sfence.stream.spmem  }
0xd0: {  	s29 =	simm.s32 $0x3;
	[bflag:$0x0] =	sbarrier.arrive $0xFFFF  }
0xd1: {  	s30 =	simm.s32 $0x4;
	[sflag:s29] =	ssyncpa.u1 $0x1  }
0xd2: {  	s31 =	simm.s32 $0x3C;
	s2 =	stileid.u32;
	[sflag:s30] =	ssyncpa.u1 $0x1  }
0xd3: {  	p0 =	sne.s32 s2, $0x0;
	[sflag:s31] =	ssyncpa.u1 $0x1  }
0xd4: {  	s0 =	simm.s32 @p0 $0x1;
	_ =	sfence @p0  }
0xd5: {  	[sflag:s0] =	ssyncpa.u1 @p0 $0x1;
	s0 =	simm.s32 @p0 $0x2  }
0xd6: {  	[sflag:s0] =	ssyncpa.u1 @p0 $0x1  }
0xd7: {  	_ =	strace @p0 $0x9000004A  }
0xd8: {  	[bflag:$0x2] =	sbarrier.arrive @p0 $0xFFFF  }
0xd9: {  	_ =	shalt @p0  }
.LBB2_11:
0xda: {  	_ =	sfence.stream.spmem;
	s0 =	simm.s32 $0x5  }
0xdb: {  	s2 =	simm.s32 $0x80;
	s3 =	simm.s32 $0xC0;
	[sflag:s0] =	ssyncpa.u1 $0x0  }
0xdc: {  	[tilespmem:s3], [sflag:$0x5] =	stream.linear.gather [spmem:s2], $0x20, $0x38;
	[tilespmem:$0x11A60] =	vst v63  }
0xdd: {  	s2 =	simm.s32 $0x0;
	s3 =	simm.s32 $0xE0  }
0xde: {  	[tilespmem:s3], [sflag:$0x5] =	stream.linear.gather [spmem:s2], $0x20, $0x38;
	[tilespmem:$0x11A60] =	vst v63  }
.Ltmp7:
0xdf: {  	_ = 	snop;
	(pc) =	sbr.rel .LBB2_12-.Ltmp7, $4  }
0xe0: {  	_ =	swait.ge [sflag:s0], $0x40  }
0xe1: {  	[sflag:s0] =	ssyncset.done $0x0  }
0xe2: {  	s31 =	simm.s32 $0x6;
	[sflag:s0] =	ssyncadd.s32 $0xFFFFFFC0  }
0xe3: {  	s4 =	simm.s32 $0x0;
	[sflag:s31] =	ssyncpa.u1 $0x0  }
.LBB2_17:
0xe4: {  	p0 =	sgt.u32 s5, $0x4FFF  }
0xe5: {  	s0 =	sshrl.u32 @!p0 s5, $0x3  }
0xe6: {  	s5 =	sand.u32 @!p0 $0x7, s5;
	s6 =	simm.s32 @!p0 $0xB0;
	s0 =	sadd.s32 @!p0 s1, s0  }
0xe7: {  	[tilespmem:s6], [sflag:$0x6] =	stream.linear.gather @!p0 [hbm4b:s0+s5], $0x1, $0x38;
	[tilespmem:$0x11A60] =	vst v63  }
0xe8: {  	s0 =	simm.s32 @!p0 $0x6  }
0xe9: {  	_ =	swait.ge @!p0 [sflag:s0], $0x1  }
0xea: {  	[sflag:s0] =	ssyncset.done @!p0 $0x0  }
0xeb: {  	[sflag:s0] =	ssyncadd.s32 @!p0 $0xFFFFFFFF  }
0xec: {  	v2 =	vmov @!p0 s4;
	v1 =	vld.msk @!p0 [tilespmem:$0xB0], $0x1;
	_ =	sdelay $0x3  }
0xed: {  	s0 =	simm.s32 @!p0 $0xE0  }
0xee: {  	[tilespmem:v2+s0+$0x0], v1 =	vst.idx.ret.add.f32.msk @!p0 $0x1, v1  }
0xef: {  	[tilespmem:s2+$0xC0] =	vst.msk $0x1, v0  }
0xf0: {  	v0 =	vld.msk [tilespmem:s4+$0xE0], $0x1;
	_ =	sdelay $0x4  }
0xf1: {  	[tilespmem:s2+$0xE0] =	vst.msk $0x1, v0;
	s2 =	sadd.s32 $0x1, s2  }
.LBB2_19:
0xf2: {  	s4 =	sadd.s32 $0x1, s4  }
0xf3: {  	p0 =	sne.s32 s4, $0x20  }
.Ltmp8:
0xf4: {  	_ = 	snop;
	(pc) =	sbr.rel @!p0 .LBB2_20-.Ltmp8, $1  }
0xf5: {  	_ =	sdelay $0x3  }
.LBB2_12:
0xf6: {  	v0 =	vld.msk [tilespmem:s4+$0xC0], $0x1;
	_ =	sdelay $0x4  }
0xf7: {  	(v2sf) =	vpush v0, $0x0;
	_ =	sdelay $0xe  }
0xf8: {  	s5 =	spop (v2sf)  }
0xf9: {  	p0 =	seq.s32 s5, $0xFFFFFFFF  }
.Ltmp9:
0xfa: {  	_ = 	snop;
	(pc) =	sbr.rel @p0 .LBB2_19-.Ltmp9, $1  }
0xfb: {  	_ =	sdelay $0x3  }
0xfc: {  	p0 =	slt.s32 s2, $0x1  }
.Ltmp10:
0xfd: {  	_ = 	snop;
	(pc) =	sbr.rel @p0 .LBB2_17-.Ltmp10, $1  }
0xfe: {  	_ =	sdelay $0x3  }
0xff: {  	s0 =	simm.s32 $0xC0;
	p0 =	por $0x0, $0x0  }
0x100: {  	v1 =	vld.msk @!p0 [tilespmem:s0+$0x0], $0x1;
	_ =	sdelay $0x4  }
0x101: {  	(v2sf) =	vpush @!p0 v1, $0x0;
	_ =	sdelay $0xd  }
0x102: {  	p2 =	sne.s32 s2, $0x1  }
.Ltmp11:
0x103: {  	s6 =	spop @!p0 (v2sf);
	(pc) =	sbr.rel @!p2 .LBB2_16-.Ltmp11, $4  }
0x104: {  	p1 =	seq.s32 @!p0 s5, s6  }
0x105: {  	s6 =	simm.s32 $0x0;
	p1 =	por !p1, p0  }
0x106: {  	s8 =	simm.s32 $0xFFFFFFFF;
	s6 =	simm.s32 @p1 $0xFFFFFFFF  }
0x107: {  	s7 =	simm.s32 $0x1;
	s6 =	smov.u32 @p0 s8  }
.LBB2_15:
0x108: {  	s8 =	smov.u32 s6;
	p0 =	sne.s32 s6, $0xFFFFFFFF  }
0x109: {  	s0 =	sadd.s32 $0x1, s0;
	s6 =	smov.u32 s7;
	s7 =	sadd.s32 $0x1, s7  }
0x10a: {  	p1 =	sne.s32 s2, s7;
	v1 =	vld.msk @!p0 [tilespmem:s0+$0x0], $0x1;
	_ =	sdelay $0x4  }
0x10b: {  	(v2sf) =	vpush @!p0 v1, $0x0;
	_ =	sdelay $0xe  }
.Ltmp12:
0x10c: {  	s9 =	spop @!p0 (v2sf);
	(pc) =	sbr.rel @p1 .LBB2_15-.Ltmp12, $4  }
0x10d: {  	p2 =	seq.s32 @!p0 s5, s9  }
0x10e: {  	p2 =	por !p2, p0  }
0x10f: {  	s6 =	simm.s32 @p2 $0xFFFFFFFF  }
0x110: {  	s6 =	smov.u32 @p0 s8  }
.LBB2_16:
0x111: {  	p0 =	sne.s32 s6, $0xFFFFFFFF  }
.Ltmp13:
0x112: {  	_ = 	snop;
	(pc) =	sbr.rel @!p0 .LBB2_17-.Ltmp13, $1  }
0x113: {  	_ =	sdelay $0x3  }
0x114: {  	v0 =	vld.msk [tilespmem:s4+$0xE0], $0x1;
	v1 =	vmov s6  }
.Ltmp14:
0x115: {  	_ = 	snop;
	(pc) =	sbr.rel .LBB2_19-.Ltmp14, $2  }
0x116: {  	_ =	sdelay $0x2  }
0x117: {  	[tilespmem:v1+s3+$0x0], v0 =	vst.idx.ret.add.f32.msk $0x1, v0  }
.LBB2_20:
0x118: {  	p0 =	slt.s32 s2, $0x1  }
.Ltmp15:
0x119: {  	_ = 	snop;
	(pc) =	sbr.rel @p0 .LBB2_24-.Ltmp15, $3  }
0x11a: {  	_ =	sdelay $0x1  }
0x11b: {  	s0 =	simm.s32 $0x6  }
0x11c: {  	s3 =	simm.s32 $0x0;
	[sflag:s0] =	ssyncpa.u1 $0x1  }
0x11d: {  	s0 =	simm.s32 $0xC0  }
0x11e: {  	v0 =	vld.msk [tilespmem:s0+$0x0], $0x1;
	_ =	sdelay $0x4  }
0x11f: {  	(v2sf) =	vpush v0, $0x0;
	_ =	sdelay $0xe  }
0x120: {  	s2 =	sadd.s32 $0xFFFFFFFF, s2;
	s4 =	spop (v2sf)  }
0x121: {  	p1 =	sne.s32 s2, $0x0;
	p0 =	sgt.u32 s4, $0x4FFF  }
.Ltmp16:
0x122: {  	s5 =	sshrl.u32 @!p0 s4, $0x3;
	(pc) =	sbr.rel @!p1 .LBB2_23-.Ltmp16, $4  }
0x123: {  	s0 =	simm.s32 $0xE0;
	s4 =	sand.u32 @!p0 $0x7, s4;
	s5 =	sadd.s32 @!p0 s1, s5  }
0x124: {  	[hbm4b:s5+s4] =	stream.linear.scatter @!p0 [tilespmem:s0], [sflag:$0x5], $0x1, $0x38;
	[tilespmem:$0x11A60] =	vst v63  }
0x125: {  	s5 =	simm.s32 $0x0  }
0x126: {  	s4 =	simm.s32 $0xC1;
	s5 =	simm.s32 @!p0 $0x4  }
.LBB2_22:
0x127: {  	v0 =	vld.msk [tilespmem:s4+$0x0], $0x1;
	s2 =	sadd.s32 $0xFFFFFFFF, s2;
	s3 =	sadd.s32 s3, s5  }
0x128: {  	p0 =	sne.s32 s2, $0x0;
	_ =	sdelay $0x3  }
0x129: {  	(v2sf) =	vpush v0, $0x0;
	_ =	sdelay $0xe  }
.Ltmp17:
0x12a: {  	s6 =	spop (v2sf);
	(pc) =	sbr.rel @p0 .LBB2_22-.Ltmp17, $4  }
0x12b: {  	s5 =	simm.s32 $0x0;
	p1 =	sgt.u32 s6, $0x4FFF  }
0x12c: {  	s0 =	sadd.s32 $0x1, s0;
	s5 =	simm.s32 @!p1 $0x4;
	s7 =	sshrl.u32 @!p1 s6, $0x3  }
0x12d: {  	s4 =	sadd.s32 $0x1, s4;
	s6 =	sand.u32 @!p1 $0x7, s6;
	s7 =	sadd.s32 @!p1 s1, s7  }
0x12e: {  	[hbm4b:s7+s6] =	stream.linear.scatter @!p1 [tilespmem:s0], [sflag:$0x5], $0x1, $0x38;
	[tilespmem:$0x11A60] =	vst v63  }
.LBB2_23:
0x12f: {  	s0 =	sadd.s32 s3, s5  }
0x130: {  	s3 =	sshrl.u32 s0, $0x2  }
.LBB2_24:
0x131: {  	s0 =	simm.s32 $0x5  }
0x132: {  	_ =	swait.ge [sflag:s0], s3  }
0x133: {  	s1 =	ssub.s32 $0x0, s3;
	[sflag:s0] =	ssyncset.done $0x0  }
0x134: {  	[sflag:s0] =	ssyncadd.s32 s1  }
0x135: {  	[sflag:s0] =	ssyncpa.u1 $0x1  }
0x136: {  	s29 =	simm.s32 $0x1;
	_ =	sfence  }
0x137: {  	s30 =	simm.s32 $0x2;
	[sflag:s29] =	ssyncpa.u1 $0x1  }
0x138: {  	[sflag:s30] =	ssyncpa.u1 $0x1  }
0x139: {  	_ =	strace $0x9000004A  }
0x13a: {  	[bflag:$0x2] =	sbarrier.arrive $0xFFFF  }
0x13b: {  	s31 =	rddreg [dreg:$0x1]  }
0x13c: {  	s0 =	sadd.s32 $0x100000, s31  }
0x13d: {  	[sflag:s0] =	ssyncadd.tile.s32 $0x1;
	_ =	shalt  }
.Lfunc_end2:
_tile_overlayer_lowered:
.L_overlay_start_2:
0x13e: {  	(tag) =	ssettag $0x2  }
0x13f: {  	s0 =	rddreg [dreg:$0x0];
	s2 =	stileid.u32  }
0x140: {  	s1 =	rddreg [dreg:$0x1];
	p0 =	sne.s32 s2, $0x0  }
0x141: {  	s3 =	rddreg [dreg:$0x2];
	[bflag:$0x3] =	sbarrier.arrive $0xFFFF;
	s2 =	simm.s32 @!p0 $0x1C01  }
0x142: {  	[timem:s3], [sflag:s2] =	dma.local @!p0 [hbm:s0], s1  }
0x143: {  	s0 =	simm.s32 @!p0 $0x1  }
0x144: {  	_ =	swait.ge @!p0 [sflag:s0], s1  }
0x145: {  	s1 =	ssub.s32 @!p0 $0x0, s1;
	[sflag:s0] =	ssyncset.done @!p0 $0x0  }
0x146: {  	[sflag:s0] =	ssyncadd.s32 @!p0 s1  }
0x147: {  	[bflag:$0x3] =	sbarrier.arrive $0xFFFF  }
0x148: {  	_ =	shalt  }

// kernel: scatter_offload_async_start.2
scs
__scs_entry_jumppad:
0x0: {  	(pc) =	sbr.rel $0x88, $3  }
0x1: {  	(tag) =	ssettag $0x0;
	lr =	simm.s32 $0x1  }
0x2: {  	[smem:$0x3F96] =	sst lr;
	_ =	strace $0xD0000000  }
0x3: {  	_ = 	snop  }
0x4: {  	_ = 	snop  }
0x5: {  	_ = 	snop  }
0x6: {  	_ = 	snop  }
0x7: {  	_ = 	snop  }
__scs_overlays_trampoline_lowered:
0x8: {  	[smem:$0x3FA5] =	sst s0  }
0x9: {  	[smem:$0x3FA6] =	sst s1  }
0xa: {  	[smem:$0x3FA7] =	sst s2  }
0xb: {  	[smem:$0x3FA8] =	sst s3  }
0xc: {  	[smem:$0x3FA9] =	sst s4  }
0xd: {  	[smem:$0x3FAA] =	sst s5  }
0xe: {  	[smem:$0x3FAB] =	sst s6  }
0xf: {  	[smem:$0x3FAC] =	sst s7  }
0x10: {  	[smem:$0x3FAD] =	sst s8  }
0x11: {  	[smem:$0x3FAE] =	sst s9;
	s0 =	simm.s32 @!p0 $0x0  }
0x12: {  	s1 =	sld [smem:$0x3F94];
	s0 =	simm.s32 @p0 $0x1  }
0x13: {  	[smem:$0x3FAF] =	sst s0;
	s0 =	simm.s32 @!p1 $0x0  }
0x14: {  	s2 =	sld [smem:$0x3F93];
	s0 =	simm.s32 @p1 $0x1  }
0x15: {  	[smem:$0x3FB0] =	sst s0;
	s0 =	simm.s32 @!p2 $0x0  }
0x16: {  	s3 =	sld [smem:$0x3FDB];
	s0 =	simm.s32 @p2 $0x1  }
0x17: {  	s4 =	simm.s32 $0x1BF5;
	[smem:$0x3FB2] =	sst s0  }
0x18: {  	s0 =	sld [smem:$0x3F95];
	_ =	swait.ge [sflag:s4], $0x0  }
0x19: {  	s7 =	sld [smem:$0x3F96]  }
0x1a: {  	s8 =	sadd.s32 $0xFFFFE003, lr  }
0x1b: {  	s9 =	sadd.s32 $0xFFFFFEF7, lr;
	s5 =	simm.s32 $0xFFFFFFFF;
	p2 =	slt.u32 s8, $0xFFFFF086  }
0x1c: {  	p1 =	slt.u32 s9, $0xF7A;
	s5 =	simm.s32 @!p2 $0x0  }
0x1d: {  	s5 =	simm.s32 @p1 $0x1;
	p0 =	seq.s32 s7, s2  }
0x1e: {  	s7 =	smul.u32 @!p0 $0xF7A, s2;
	p2 =	seq.s32 @!p0 s5, $0x0  }
0x1f: {  	s9 =	smul.u32 $0xF7A, s1;
	s8 =	simm.s32 @!p0 $0x1BF5;
	p2 =	por !p2, p0  }
0x20: {  	[sflag:s8] =	ssyncset.s32 @!p0 $0xFFFFF086;
	s6 =	sadd.s32 @!p0 s3, s7;
	s7 =	simm.s32 @!p0 $0x108  }
0x21: {  	s3 =	sadd.s32 s3, s9;
	s6 =	sadd.s32 @!p0 $0x88, s6;
	s7 =	simm.s32 @p2 $0x1082  }
0x22: {  	[simem:s7], [sflag:s8] =	dma.local @!p0 [hbm:s6], $0xF7A  }
0x23: {  	s9 =	sor.u32 $0xD0000000, s2;
	s6 =	simm.s32 $0x108;
	_ =	swait.ge @!p0 [sflag:s8], $0x0  }
0x24: {  	s3 =	sadd.s32 $0x88, s3;
	s6 =	simm.s32 @!p1 $0x1082;
	[sflag:s4] =	ssyncset.s32 $0xFFFFF086  }
0x25: {  	[simem:s6], [sflag:s4] =	dma.local [hbm:s3], $0xF7A  }
0x26: {  	[smem:$0x3F96] =	sst s1;
	(tag) =	ssettag s2;
	_ =	strace s9  }
0x27: {  	s1 =	sld [smem:$0x3FA6]  }
0x28: {  	s2 =	sld [smem:$0x3FA7]  }
0x29: {  	s4 =	sld [smem:$0x3FA9]  }
0x2a: {  	p0 =	seq.s32 s5, $0x0;
	s5 =	sld [smem:$0x3FAA]  }
0x2b: {  	s6 =	sld [smem:$0x3FAB]  }
0x2c: {  	s7 =	sld [smem:$0x3FAC]  }
0x2d: {  	s3 =	simm.s32 $0x108;
	s8 =	sld [smem:$0x3FAD]  }
0x2e: {  	s3 =	simm.s32 @!p0 $0x1082;
	s9 =	sld [smem:$0x3FAE]  }
0x2f: {  	lr =	sadd.s32 s0, s3;
	s0 =	sld [smem:$0x3FA5]  }
0x30: {  	s3 =	sld [smem:$0x3FA8]  }
0x31: {  	[smem:$0x3FB1] =	sst s10  }
0x32: {  	s10 =	sld [smem:$0x3FAF];
	_ =	sdelay $0x3  }
0x33: {  	p0 =	seq.s32 s10, $0x1;
	s10 =	sld [smem:$0x3FB1];
	_ =	sdelay $0x3  }
0x34: {  	[smem:$0x3FB1] =	sst s10  }
0x35: {  	s10 =	sld [smem:$0x3FB0];
	_ =	sdelay $0x3  }
0x36: {  	p1 =	seq.s32 s10, $0x1;
	s10 =	sld [smem:$0x3FB1];
	_ =	sdelay $0x3  }
0x37: {  	[smem:$0x3FB1] =	sst s10  }
0x38: {  	s10 =	sld [smem:$0x3FB2]  }
0x39: {  	_ = 	snop;
	(pc) =	sbr.ind lr, $3  }
0x3a: {  	_ = 	snop  }
0x3b: {  	_ = 	snop  }
0x3c: {  	p2 =	seq.s32 s10, $0x1;
	s10 =	sld [smem:$0x3FB1]  }
0x3d: {  	_ =	shalt  }
0x3e: {  	_ =	shalt  }
0x3f: {  	_ =	shalt  }
0x40: {  	_ =	shalt  }
0x41: {  	_ =	shalt  }
0x42: {  	_ =	shalt  }
0x43: {  	_ =	shalt  }
0x44: {  	_ =	shalt  }
0x45: {  	_ =	shalt  }
0x46: {  	_ =	shalt  }
0x47: {  	_ =	shalt  }
0x48: {  	_ =	shalt  }
0x49: {  	_ =	shalt  }
0x4a: {  	_ =	shalt  }
0x4b: {  	_ =	shalt  }
0x4c: {  	_ =	shalt  }
0x4d: {  	_ =	shalt  }
0x4e: {  	_ =	shalt  }
0x4f: {  	_ =	shalt  }
0x50: {  	_ =	shalt  }
0x51: {  	_ =	shalt  }
0x52: {  	_ =	shalt  }
0x53: {  	_ =	shalt  }
0x54: {  	_ =	shalt  }
0x55: {  	_ =	shalt  }
0x56: {  	_ =	shalt  }
0x57: {  	_ =	shalt  }
0x58: {  	_ =	shalt  }
0x59: {  	_ =	shalt  }
0x5a: {  	_ =	shalt  }
0x5b: {  	_ =	shalt  }
0x5c: {  	_ =	shalt  }
0x5d: {  	_ =	shalt  }
0x5e: {  	_ =	shalt  }
0x5f: {  	_ =	shalt  }
0x60: {  	_ =	shalt  }
0x61: {  	_ =	shalt  }
0x62: {  	_ =	shalt  }
0x63: {  	_ =	shalt  }
0x64: {  	_ =	shalt  }
0x65: {  	_ =	shalt  }
0x66: {  	_ =	shalt  }
0x67: {  	_ =	shalt  }
0x68: {  	_ =	shalt  }
0x69: {  	_ =	shalt  }
0x6a: {  	_ =	shalt  }
0x6b: {  	_ =	shalt  }
0x6c: {  	_ =	shalt  }
0x6d: {  	_ =	shalt  }
0x6e: {  	_ =	shalt  }
0x6f: {  	_ =	shalt  }
0x70: {  	_ =	shalt  }
0x71: {  	_ =	shalt  }
0x72: {  	_ =	shalt  }
0x73: {  	_ =	shalt  }
0x74: {  	_ =	shalt  }
0x75: {  	_ =	shalt  }
0x76: {  	_ =	shalt  }
0x77: {  	_ =	shalt  }
0x78: {  	_ =	shalt  }
0x79: {  	_ =	shalt  }
0x7a: {  	_ =	shalt  }
0x7b: {  	_ =	shalt  }
0x7c: {  	_ =	shalt  }
0x7d: {  	_ =	shalt  }
0x7e: {  	_ =	shalt  }
0x7f: {  	_ =	shalt  }
0x80: {  	_ =	shalt  }
0x81: {  	_ =	shalt  }
0x82: {  	_ =	shalt  }
0x83: {  	_ =	shalt  }
0x84: {  	_ =	shalt  }
0x85: {  	_ =	shalt  }
0x86: {  	_ =	shalt  }
0x87: {  	_ =	shalt  }
.Lfunc_end0:
.L_simem_size_0:
called_computation.2_lowered:
.L_overlay_start_0:
0x88: {  	s2 =	sld [smem:$0x3FD9]  }
0x89: {  	s3 =	sld [smem:$0x3FFE];
	_ =	sdelay $0x1  }
0x8a: {  	s1 =	srdreg.scid  }
0x8b: {  	s0 =	sand.u32 $0x1, s1  }
0x8c: {  	s17 =	sshll.u32 s0, $0xA;
	s2 =	sadd.s32 s3, s2  }
0x8d: {  	s2 =	sadd.s32 s2, s17  }
0x8e: {  	[smem:$0x3FBD] =	sst s2  }
0x8f: {  	_ = 	snop  }
0x90: {  	(tm) =	ssettm $0x1  }
0x91: {  	s18 =	sld [smem:$0x3FFB];
	_ =	sdelay $0x3  }
0x92: {  	_ =	strace s18  }
0x93: {  	s2 =	sld [smem:$0x3FFC];
	_ =	sdelay $0x3  }
0x94: {  	_ =	strace s2  }
0x95: {  	s2 =	sld [smem:$0x3FFD];
	_ =	sdelay $0x3  }
0x96: {  	_ =	strace s2  }
0x97: {  	_ =	strace $0x8FFFFFFF  }
0x98: {  	s19 =	sld [smem:$0x3FDB];
	_ =	sdelay $0x1  }
0x99: {  	s20 =	simm.s32 $_scs_section_size  }
0x9a: {  	s4 =	simm.s32 $_size__tile_overlayer_lowered;
	s5 =	simm.s32 $_tile_overlayer_lowered  }
0x9b: {  	s6 =	simm.s32 $0x1BFF;
	s21 =	sshll.u32 s5, $0x1;
	s3 =	sadd.s32 s20, s19  }
0x9c: {  	s22 =	simm.s32 $0x0;
	s4 =	sshll.u32 s4, $0x1;
	s5 =	sadd.s32 s21, s3  }
0x9d: {  	[timem:s22], [sflag:s6] =	dma.local [hbm:s5], s4  }
0x9e: {  	_ =	swait.ge [sflag:s6], s4  }
0x9f: {  	s4 =	ssub.s32 $0x0, s4;
	[sflag:s6] =	ssyncset.done $0x0  }
0xa0: {  	[sflag:s6] =	ssyncadd.s32 s4;
	_ =	sdelay $0x1  }
0xa1: {  	s23 =	simm.s32 $0x1B8B  }
0xa2: {  	_ =	swait.ge [sflag:s23], $0x1  }
0xa3: {  	[sflag:s23] =	ssyncset.done $0x0  }
0xa4: {  	[sflag:s23] =	ssyncadd.s32 $0xFFFFFFFF  }
0xa5: {  	s4 =	sld [smem:$0x0]  }
0xa6: {  	s5 =	sand.u32 $0xFFFFFFFE, s1  }
0xa7: {  	p0 =	sne.s32 s1, s5  }
0xa8: {  	s5 =	sshll.u32 @p0 s5, $0xE  }
0xa9: {  	s5 =	sadd.s32 @p0 $0x11B8D, s5;
	s6 =	sshll.u32 @p0 s4, $0x11  }
0xaa: {  	s5 =	sor.u32 @p0 s6, s5  }
0xab: {  	[sflag:s5] =	ssyncadd.remote.s32 @p0 $0x1;
	_ =	sdelay $0x1  }
0xac: {  	s5 =	simm.s32 @p0 $0x1B8D  }
0xad: {  	_ =	swait.eq @p0 [sflag:s5], $0x1  }
0xae: {  	[sflag:s5] =	ssyncadd.s32 @p0 $0xFFFFFFFF  }
0xaf: {  	s6 =	sshll.u32 @!p0 s1, $0xE  }
0xb0: {  	s6 =	sor.u32 @!p0 $0x4000, s6;
	s5 =	simm.s32 @!p0 $0x1B8D  }
0xb1: {  	s7 =	sshll.u32 @!p0 s4, $0x11;
	s6 =	sadd.s32 @!p0 $0x11B8D, s6;
	_ =	swait.eq @!p0 [sflag:s5], $0x1  }
0xb2: {  	[sflag:s5] =	ssyncadd.s32 @!p0 $0xFFFFFFFF;
	s5 =	sor.u32 @!p0 s7, s6  }
0xb3: {  	s25 =	simm.s32 $0x1B8E;
	s24 =	sld [smem:$0x3FFE];
	[sflag:s5] =	ssyncadd.remote.s32 @!p0 $0x1  }
0xb4: {  	s26 =	simm.s32 $execute0_lowered;
	[smem:$0x3FD2] =	sst s25  }
0xb5: {  	s6 =	sshll.u32 s26, $0x1;
	_ =	strace $0x8000004C;
	[dreg:$0x1] =	wrdreg $0xFFFFFFFF  }
0xb6: {  	s28 =	simm.s32 $_size_execute0_lowered;
	s3 =	sadd.s32 s3, s6;
	[dreg:$0x0] =	wrdreg $0x0  }
0xb7: {  	s6 =	sshll.u32 s28, $0x1;
	[dreg:$0x2] =	wrdreg s3  }
0xb8: {  	[dreg:$0x3] =	wrdreg s6  }
0xb9: {  	[dreg:$0x4] =	wrdreg $0xC0  }
0xba: {  	_ =	task [dreg:s22], $0x5FFFF  }
0xbb: {  	[dreg:$0x1] =	wrdreg $0xFFFFFFFF  }
0xbc: {  	[dreg:$0x0] =	wrdreg $0x60  }
0xbd: {  	[dreg:$0x2] =	wrdreg s24  }
0xbe: {  	[dreg:$0x3] =	wrdreg s1  }
0xbf: {  	[dreg:$0x4] =	wrdreg s4  }
0xc0: {  	[dreg:$0x5] =	wrdreg $0xA  }
0xc1: {  	_ =	task.clear_ibuf [dreg:s22], $0x6FFFF;
	_ =	strace $0x9000004C  }
0xc2: {  	s29 =	simm.s32 $0xA;
	_ =	strace $0x8000004E  }
0xc3: {  	_ =	swait.ge [sflag:s29], $0x1  }
0xc4: {  	[sflag:s29] =	ssyncadd.s32 $0xFFFFFFFF  }
0xc5: {  	_ =	strace $0x9000004E  }
0xc6: {  	_ =	sfence  }
0xc7: {  	s30 =	sld [smem:$0x0];
	_ =	sdelay $0x2  }
0xc8: {  	s31 =	sshll.u32 s1, $0xD;
	s1 =	sshrl.u32 s1, $0x2  }
0xc9: {  	s4 =	sand.u32 $0x4000, s31;
	s1 =	sadd.s32 s1, s30  }
0xca: {  	s0 =	sor.u32 s4, s0;
	s1 =	sshll.u32 s1, $0x11  }
0xcb: {  	s0 =	sor.u32 s1, s0  }
0xcc: {  	s0 =	sadd.s32 $0x8F2B, s0  }
0xcd: {  	[sflag:s0] =	ssyncadd.remote.s32 $0x1  }
0xce: {  	_ =	sfence.sel $0xFFFF  }
0xcf: {  	[dreg:$0x0] =	wrdreg $0xFFFFFFFF;
	(pc) =	sbr.abs _section_cstart, $3  }
0xd0: {  	[dreg:$0x1] =	wrdreg $0xFFFFFFFF  }
0xd1: {  	_ =	task.clear_ibuf [dreg:s22], $0x2FFFF;
	_ =	strace $0x9FFFFFFF  }
0xd2: {  	(tm) =	ssettm $0x7FFFFFFF  }
0xd3: {  	_ =	shalt  }
tec
execute0_lowered:
.L_overlay_start_1:
0x0: {  	(tag) =	ssettag $0x1  }
0x1: {  	s2 =	rddreg [dreg:$0x0]  }
0x2: {  	s3 =	rddreg [dreg:$0x1];
	_ =	strace $0x8000004D;
	s0 =	simm.s32 $0x1  }
0x3: {  	v0 =	vimm.s32 $0x0;
	[sflag:s0] =	ssyncpa.u1 $0x0;
	s0 =	simm.s32 $0x108  }
0x4: {  	[tilespmem:s0+$0x70] =	vst v0  }
0x5: {  	[tilespmem:s0+$0x60] =	vst v0  }
0x6: {  	[tilespmem:s0+$0x50] =	vst v0  }
0x7: {  	[tilespmem:s0+$0x40] =	vst v0  }
0x8: {  	[tilespmem:s0+$0x30] =	vst v0  }
0x9: {  	s1 =	sadd.s32 $0x400, s2;
	s15 =	sadd.s32 $0x62200, s2;
	s6 =	sadd.s32 $0xBC000, s2;
	[tilespmem:s0+$0x20] =	vst v0  }
0xa: {  	s14 =	sadd.s32 $0x6C000, s2;
	s5 =	sand.u32 $0x1, s3;
	s3 =	simm.s32 $0x40;
	[tilespmem:s0+$0x10] =	vst v0  }
.LBB2_1:
0xb: {  	s3 =	sadd.s32 $0x40, s3;
	[tilespmem:s0+$0x0] =	vst v0;
	s0 =	sadd.s32 $0x80, s0  }
0xc: {  	p0 =	slt.u32 s3, $0x3C40;
	[tilespmem:s0+$0x70] =	vst v0  }
0xd: {  	[tilespmem:s0+$0x60] =	vst v0  }
.Ltmp0:
0xe: {  	[tilespmem:s0+$0x50] =	vst v0;
	(pc) =	sbr.rel @p0 .LBB2_1-.Ltmp0, $4  }
0xf: {  	[tilespmem:s0+$0x40] =	vst v0  }
0x10: {  	[tilespmem:s0+$0x30] =	vst v0  }
0x11: {  	[tilespmem:s0+$0x20] =	vst v0  }
0x12: {  	[tilespmem:s0+$0x10] =	vst v0  }
0x13: {  	s9 =	stileid.u32  }
0x14: {  	s2 =	smul.u32 $0x29, s9  }
0x15: {  	s3 =	smin.u32 s9, $0xB  }
0x16: {  	s2 =	sadd.s32 s3, s2  }
0x17: {  	p0 =	slt.u32 s9, $0xB;
	s7 =	smul.u32 $0xF0, s2;
	s2 =	simm.s32 $0x2760  }
0x18: {  	s2 =	simm.s32 @!p0 $0x2670  }
0x19: {  	s2 =	sadd.s32 s2, s7  }
0x1a: {  	s8 =	smin.u32 s2, $0x27100  }
0x1b: {  	s2 =	ssub.s32 s8, s7  }
0x1c: {  	p0 =	sgt.s32 s2, $0x0  }
0x1d: {  	s29 =	simm.s32 $0x2;
	s10 =	simm.s32 $0x9;
	s2 =	simm.s32 @!p0 $0x0  }
0x1e: {  	s4 =	simm.s32 $0xA;
	s11 =	simm.s32 $0xB;
	s28 =	smulhi.u32 $0x88888889, s2  }
0x1f: {  	[dreg:$0x4] =	wrdreg s5;
	s31 =	smul.u32 $0x4E20, s5;
	s12 =	simm.s32 $0x1  }
0x20: {  	s22 =	simm.s32 $0x0;
	s18 =	simm.s32 $0xC;
	s30 =	sshrl.u32 s28, $0x7  }
0x21: {  	s20 =	simm.s32 $0x0;
	s21 =	simm.s32 $0x0;
	s3 =	smul.u32 $0xF0, s30  }
.Ltmp1:
0x22: {  	[tilespmem:s0+$0x0] =	vst v0;
	v0 =	vimm.s32 $0xFFFFFFFF;
	[sflag:s29] =	ssyncpa.u1 $0x0;
	s16 =	sshll.u32 s9, $0x8;
	(pc) =	sbr.rel .LBB2_3-.Ltmp1, $4  }
0x23: {  	[tilespmem:$0xF208] =	vst v0;
	[sflag:s10] =	ssyncpa.u1 $0x0;
	p0 =	sne.s32 s2, s3;
	s2 =	simm.s32 $0x1  }
0x24: {  	s14 =	sadd.s32 s31, s14;
	[sflag:s4] =	ssyncpa.u1 $0x0;
	s2 =	simm.s32 @!p0 $0x0  }
0x25: {  	s15 =	sadd.s32 s31, s15;
	[sflag:s11] =	ssyncpa.u1 $0x0;
	s13 =	sadd.s32 s2, s30  }
0x26: {  	v0 =	vlaneseq.u32;
	s19 =	smov.u32 s7;
	p0 =	por $0x0, $0x0;
	s17 =	sadd.s32 $0x1, s13  }
.LBB2_18:
0x27: {  	s0 =	sshrl.u32 s31, $0x2  }
.LBB2_20:
0x28: {  	_ =	swait.ge [sflag:s18], s0  }
0x29: {  	s31 =	ssub.s32 $0x0, s0;
	v1 =	vmov s24;
	vm0 =	veq.s32 v0, $0x0;
	[sflag:s18] =	ssyncset.done $0x0  }
0x2a: {  	vm15 =	veq.s32 v0, $0x2;
	v1 =	vsel vm0, s30, v1;
	[sflag:s18] =	ssyncadd.s32 s31  }
0x2b: {  	v1 =	vsel vm15, s22, v1;
	[sflag:s18] =	ssyncpa.u1 $0x1  }
0x2c: {  	[tilespmem:$0xF208] =	vst v1  }
.LBB2_21:
0x2d: {  	s0 =	sadd.s32 $0xF0, s19  }
0x2e: {  	s2 =	smov.u32 s7;
	p1 =	slt.s32 s0, s8  }
0x2f: {  	s2 =	smov.u32 @p1 s0;
	p1 =	sne.s32 s21, s17  }
.Ltmp2:
0x30: {  	_ = 	snop;
	(pc) =	sbr.rel @!p1 .LBB2_22-.Ltmp2, $3  }
0x31: {  	_ =	sdelay $0x1  }
0x32: {  	s22 =	smov.u32 s20;
	s31 =	sadd.s32 $0x1, s21;
	s20 =	smov.u32 s19  }
0x33: {  	p0 =	por !p0, !p0;
	s21 =	smov.u32 s31;
	s19 =	smov.u32 s2  }
.LBB2_3:
0x34: {  	p1 =	sge.u32 s21, s13  }
0x35: {  	s0 =	smulhi.u32 @!p1 $0xAAAAAAAB, s21  }
0x36: {  	s2 =	smov.u32 s19;
	p2 =	sgt.s32 @!p1 s19, $0x27010  }
0x37: {  	s3 =	sshra.s32 @!p1 s19, $0x1F;
	p2 =	por !p2, p1;
	s0 =	sshrl.u32 @!p1 s0, $0x1  }
0x38: {  	s3 =	sand.u32 @!p1 s3, s19;
	s2 =	simm.s32 @p2 $0x27010;
	s0 =	smul.u32 @!p1 $0x3, s0  }
0x39: {  	s2 =	ssub.s32 @!p1 s2, s3  }
0x3a: {  	s2 =	sadd.s32 @!p1 $0xFFFD8FF0, s2;
	s0 =	ssub.s32 @!p1 s21, s0  }
0x3b: {  	s3 =	sshll.u32 @!p1 s2, $0x2;
	p2 =	sgt.s32 @!p1 s2, $0xEF;
	s0 =	smul.u32 @!p1 $0x3C0, s0  }
0x3c: {  	s4 =	sand.u32 @!p1 $0x7, s19;
	s2 =	ssub.s32 @!p1 $0x3C0, s3;
	p2 =	por !p2, p1  }
0x3d: {  	s3 =	sshrl.u32 @!p1 s19, $0x3;
	s2 =	sshrl.u32 @!p1 s2, $0x2;
	s0 =	sshrl.u32 @!p1 s0, $0x2  }
0x3e: {  	s3 =	sadd.s32 @!p1 s3, s14;
	s2 =	simm.s32 @!p2 $0x0;
	s0 =	sadd.s32 @!p1 $0x10248, s0  }
0x3f: {  	[tilespmem:s0], [sflag:$0xA] =	stream.linear.gather @!p1 [hbm4b:s3+s4], s2, $0x38;
	[tilespmem:$0x1F6F8] =	vst v63  }
0x40: {  	s0 =	sadd.s32 $0xFFFFFFFF, s21  }
0x41: {  	p1 =	sge.u32 s0, s13  }
0x42: {  	p2 =	sgt.s32 @!p1 s20, $0x27010  }
0x43: {  	s2 =	smov.u32 s20;
	s3 =	sshra.s32 @!p1 s20, $0x1F;
	p2 =	por !p2, p1  }
0x44: {  	s3 =	sand.u32 @!p1 s3, s20;
	s2 =	simm.s32 @p2 $0x27010  }
0x45: {  	s2 =	ssub.s32 @!p1 s2, s3  }
0x46: {  	s2 =	sadd.s32 @!p1 $0xFFFD8FF0, s2  }
0x47: {  	s4 =	sand.u32 @!p1 $0x1, s0;
	s3 =	sshll.u32 @!p1 s2, $0x2  }
0x48: {  	p2 =	sgt.s32 @!p1 s2, $0xEF;
	s2 =	ssub.s32 @!p1 $0x3C0, s3;
	s3 =	smulhi.u32 @!p1 $0xAAAAAAAB, s0  }
0x49: {  	s23 =	smul.u32 @!p1 $0x3C0, s4;
	p2 =	por !p2, p1;
	s2 =	sshrl.u32 @!p1 s2, $0x2  }
0x4a: {  	s5 =	simm.s32 @!p1 $0xA;
	s2 =	simm.s32 @!p2 $0x0;
	s3 =	sshrl.u32 @!p1 s3, $0x1  }
0x4b: {  	s23 =	sshrl.u32 @!p1 s23, $0x2;
	_ =	swait.ge @!p1 [sflag:s5], s2;
	s3 =	smul.u32 @!p1 $0x3, s3  }
0x4c: {  	s23 =	sadd.s32 @!p1 $0x10518, s23;
	s24 =	ssub.s32 @!p1 $0x0, s2;
	[sflag:s5] =	ssyncset.done @!p1 $0x0  }
0x4d: {  	[sflag:s5] =	ssyncadd.s32 @!p1 s24;
	s5 =	sshrl.u32 @!p1 s20, $0x3;
	s0 =	ssub.s32 @!p1 s0, s3  }
0x4e: {  	s24 =	sand.u32 @!p1 $0x7, s20;
	s5 =	sadd.s32 @!p1 s5, s15;
	s0 =	smul.u32 @!p1 $0x3C0, s0  }
0x4f: {  	[tilespmem:s23], [sflag:$0xB] =	stream.linear.gather @!p1 [hbm4b:s5+s24], s2, $0x38;
	[tilespmem:$0x1F6F8] =	vst v63  }
0x50: {  	s3 =	ssub.s32 @!p1 $0x27100, s20;
	s2 =	smul.u32 @!p1 $0x1E000, s4  }
0x51: {  	p2 =	slt.s32 @!p1 s3, $0xF0  }
0x52: {  	p2 =	por !p2, p1;
	s0 =	sshrl.u32 @!p1 s0, $0x2;
	s2 =	sshrl.u32 @!p1 s2, $0x2  }
0x53: {  	s3 =	simm.s32 @p2 $0xF0;
	s0 =	sadd.s32 @!p1 $0x10248, s0;
	s2 =	sor.u32 @!p1 $0x106F8, s2  }
0x54: {  	[tilespmem:s2], [sflag:$0x9] =	stream.indirect.gather @!p1 [hbm4b:s6+s3], $0x80, s0, s3, $0xb8;
	[tilespmem:$0x1F6F8] =	vst v63  }
0x55: {  	p1 =	slt.u32 s21, $0x2  }
.Ltmp3:
0x56: {  	_ = 	snop;
	(pc) =	sbr.rel @p1 .LBB2_21-.Ltmp3, $1  }
0x57: {  	_ =	sdelay $0x3  }
0x58: {  	p1 =	sgt.s32 s22, $0x27010  }
0x59: {  	s0 =	smov.u32 s22;
	s2 =	sshra.s32 s22, $0x1F;
	s3 =	ssub.s32 $0x27100, s22  }
0x5a: {  	s0 =	simm.s32 @!p1 $0x27010;
	s2 =	sand.u32 s2, s22;
	p1 =	slt.s32 s3, $0xF0  }
0x5b: {  	s0 =	ssub.s32 s0, s2;
	s3 =	simm.s32 @!p1 $0xF0  }
0x5c: {  	s0 =	sadd.s32 $0xFFFD8FF0, s0;
	s25 =	sshll.u32 s3, $0x7  }
0x5d: {  	s26 =	sshll.u32 s0, $0x2;
	s2 =	sand.u32 $0x3FFFFF80, s25  }
0x5e: {  	p1 =	sgt.s32 s0, $0xEF;
	s29 =	ssub.s32 $0x3C0, s26;
	_ =	swait.ge [sflag:s10], s2  }
0x5f: {  	s2 =	ssub.s32 $0x0, s2;
	[sflag:s10] =	ssyncset.done $0x0;
	s0 =	sshrl.u32 s29, $0x2  }
0x60: {  	[sflag:s10] =	ssyncadd.s32 s2;
	s0 =	simm.s32 @p1 $0x0  }
0x61: {  	_ =	swait.ge [sflag:s11], s0  }
0x62: {  	s0 =	ssub.s32 $0x0, s0;
	[sflag:s11] =	ssyncset.done $0x0  }
0x63: {  	[sflag:s11] =	ssyncadd.s32 s0  }
0x64: {  	v1 =	vld [tilespmem:$0xF208];
	_ =	sdelay $0x4  }
0x65: {  	(v2sf) =	vpush v1, $0x0  }
0x66: {  	(v2sf) =	vpush v1, $0x1  }
0x67: {  	(v2sf) =	vpush v1, $0x2;
	_ =	sdelay $0x3  }
0x68: {  	s0 =	sadd.s32 $0xF0, s22  }
0x69: {  	s2 =	ssub.s32 $0x4E200, s22;
	p1 =	slt.s32 s8, s0  }
0x6a: {  	s0 =	smov.u32 @p1 s8;
	p1 =	sgt.s32 s2, $0x0  }
0x6b: {  	s26 =	ssub.s32 s0, s22;
	s2 =	simm.s32 @!p1 $0x0  }
0x6c: {  	p1 =	slt.s32 s2, s26  }
0x6d: {  	s26 =	smov.u32 @p1 s2  }
0x6e: {  	s25 =	simm.s32 $0x1;
	p1 =	slt.s32 s26, $0x1  }
.Ltmp4:
0x6f: {  	s25 =	simm.s32 @!p0 $0x0;
	(pc) =	sbr.rel @p1 .LBB2_8-.Ltmp4, $4  }
0x70: {  	s31 =	smul.u32 $0x3C0, s25  }
0x71: {  	s28 =	spop (v2sf)  }
0x72: {  	s0 =	sshrl.u32 s31, $0x2;
	s30 =	spop (v2sf)  }
0x73: {  	s23 =	sadd.s32 $0x10518, s0;
	s22 =	spop (v2sf)  }
0x74: {  	s0 =	smin.u32 s26, $0x10  }
0x75: {  	v1 =	vmov s0  }
0x76: {  	p2 =	sgt.s32 s26, $0x10;
	vm1 =	vgt.u32 v1, v0  }
.Ltmp5:
0x77: {  	_ = 	snop;
	(pc) =	sbr.rel @!p2 .LBB2_7-.Ltmp5, $2  }
0x78: {  	_ =	sdelay $0x2  }
0x79: {  	s4 =	simm.s32 $0x10;
	s24 =	sadd.s32 $0xFFFFFFF0, s26;
	s0 =	smov.u32 s23;
	vm0 =	vmmov vm1  }
.LBB2_6:
0x7a: {  	s2 =	smin.u32 s24, $0x10;
	s4 =	sadd.s32 $0x10, s4;
	v1 =	vld.msk [tilespmem:s0+$0x0 ss:$0x1], vm1  }
0x7b: {  	v2 =	vmov s2;
	p2 =	slt.s32 s4, s26  }
0x7c: {  	vm1 =	vgt.u32 v2, v0  }
.Ltmp6:
0x7d: {  	(pc) =	sbr.rel @p2 .LBB2_6-.Ltmp6, $3  }
0x7e: {  	_ =	sdelay $0x1  }
0x7f: {  	v1 =	vshll.u32 v1, $0x4  }
0x80: {  	s24 =	sadd.s32 $0xFFFFFFF0, s24;
	[tilespmem:s0+$0x0] =	vst.msk vm0, v1;
	s0 =	sadd.s32 $0x10, s0;
	vm0 =	vmmov vm1  }
.LBB2_7:
0x81: {  	_ =	sdelay $0x4  }
0x82: {  	v1 =	vld.msk [tilespmem:s0+$0x0 ss:$0x1], vm1;
	_ =	sdelay $0x4  }
0x83: {  	v1 =	vshll.u32 v1, $0x4  }
0x84: {  	[tilespmem:s0+$0x0] =	vst.msk vm0, v1  }
.LBB2_8:
0x85: {  	s0 =	sand.u32 $0x1, s21  }
0x86: {  	s0 =	smul.u32 $0xF0, s0  }
0x87: {  	p2 =	sne.s32 s30, $0xFFFFFFFF  }
0x88: {  	v1 =	vld.msk @!p2 [tilespmem:s0+$0x10518], $0x1;
	_ =	sdelay $0x4  }
0x89: {  	(v2sf) =	vpush @!p2 v1, $0x0;
	_ =	sdelay $0xc  }
.Ltmp7:
0x8a: {  	_ = 	snop;
	(pc) =	sbr.rel @p1 .LBB2_19-.Ltmp7, $4  }
0x8b: {  	_ = 	snop  }
0x8c: {  	s29 =	spop @!p2 (v2sf)  }
0x8d: {  	s22 =	simm.s32 @!p2 $0x0;
	s24 =	smov.u32 s29  }
0x8e: {  	[sflag:s18] =	ssyncpa.u1 $0x0;
	s29 =	smov.u32 @p2 s28;
	s24 =	smov.u32 @p2 s30  }
0x8f: {  	v1 =	vld.msk [tilespmem:s23+$0x0], $0x1;
	_ =	sdelay $0x4  }
0x90: {  	(v2sf) =	vpush v1, $0x0;
	_ =	sdelay $0xe  }
0x91: {  	s2 =	smul.u32 $0x1E000, s25;
	s0 =	spop (v2sf)  }
0x92: {  	s26 =	ssub.s32 $0x0, s26;
	p1 =	seq.s32 s29, s0  }
0x93: {  	s30 =	sadd.s32 $0x1, s26;
	s2 =	sshrl.u32 s2, $0x2;
	p2 =	sgt.s32 @!p1 s29, $0x0  }
0x94: {  	s25 =	sor.u32 $0x10738, s2;
	s2 =	smov.u32 s29;
	p2 =	por !p2, p1  }
0x95: {  	s2 =	simm.s32 @p2 $0x0;
	p2 =	seq.s32 s30, $0x0  }
.Ltmp8:
0x96: {  	_ = 	snop;
	(pc) =	sbr.rel @p2 .LBB2_11-.Ltmp8, $4  }
0x97: {  	_ = 	snop  }
0x98: {  	s28 =	simm.s32 $0x0;
	s31 =	sadd.s32 $0x1, s23;
	s2 =	smin.u32 @!p1 s2, $0x4E1F0  }
0x99: {  	s4 =	simm.s32 @!p1 $0x1;
	s5 =	simm.s32 @!p1 $0x7988;
	s3 =	sand.u32 @!p1 $0x7FFF8, s2  }
0x9a: {  	s4 =	smov.u32 @p1 s28;
	s2 =	sand.u32 @!p1 $0x7, s2;
	s3 =	sadd.s32 @!p1 s1, s3  }
.LBB2_10:
0x9b: {  	s9 =	smov.u32 s4  }
0x9c: {  	[tilespmem:s5], [sflag:$0x2] =	stream.linear.gather @!p1 [hbm4b:s3+s2], $0x80, $0x38;
	[tilespmem:$0x1F6F8] =	vst v63  }
0x9d: {  	s30 =	sadd.s32 $0x1, s30;
	s2 =	smov.u32 s0;
	v1 =	vld.msk [tilespmem:s31+$0x0], $0x1  }
0x9e: {  	p2 =	seq.s32 s30, $0x0;
	_ =	sdelay $0x3  }
0x9f: {  	(v2sf) =	vpush v1, $0x0;
	_ =	sdelay $0xe  }
0xa0: {  	s0 =	spop (v2sf)  }
0xa1: {  	p1 =	seq.s32 s2, s0  }
0xa2: {  	p3 =	sgt.s32 @!p1 s2, $0x0;
	s3 =	sshll.u32 @!p1 s4, $0x9;
	s4 =	sadd.s32 @!p1 $0x1, s4  }
.Ltmp9:
0xa3: {  	p3 =	por !p3, p1;
	s3 =	sshra.s32 @!p1 s3, $0x2;
	(pc) =	sbr.rel @!p2 .LBB2_10-.Ltmp9, $4  }
0xa4: {  	s4 =	smov.u32 @p1 s9;
	s2 =	simm.s32 @p3 $0x0;
	s5 =	sadd.s32 @!p1 $0x7988, s3  }
0xa5: {  	s2 =	smin.u32 @!p1 s2, $0x4E1F0  }
0xa6: {  	s3 =	sand.u32 @!p1 $0x7FFF8, s2;
	s2 =	sand.u32 @!p1 $0x7, s2  }
0xa7: {  	s31 =	sadd.s32 $0x1, s31;
	s3 =	sadd.s32 @!p1 s1, s3  }
.LBB2_11:
0xa8: {  	[tilespmem:s5], [sflag:$0x2] =	stream.linear.gather @!p1 [hbm4b:s3+s2], $0x80, $0x38;
	[tilespmem:$0x1F6F8] =	vst v63  }
.Ltmp10:
0xa9: {  	s0 =	sshll.u32 s4, $0x7;
	(pc) =	sbr.rel .LBB2_12-.Ltmp10, $4  }
0xaa: {  	s30 =	simm.s32 $0x2;
	s0 =	sand.u32 $0x3FFFFF80, s0  }
0xab: {  	_ =	swait.ge [sflag:s30], s0  }
0xac: {  	s0 =	ssub.s32 $0x0, s0;
	[sflag:s30] =	ssyncset.done $0x0  }
0xad: {  	s31 =	simm.s32 $0x0;
	[sflag:s30] =	ssyncadd.s32 s0  }
.LBB2_13:
0xae: {  	v1 =	vld [tilespmem:s25+$0xFFFFFFC0];
	_ =	sdelay $0x3  }
0xaf: {  	s0 =	sshra.s32 s0, $0x2  }
0xb0: {  	[tilespmem:s0+$0x108] =	vst.add.f32.msk $0xffff, v1  }
0xb1: {  	v1 =	vld [tilespmem:s25+$0xFFFFFFD0];
	_ =	sdelay $0x4  }
0xb2: {  	[tilespmem:s0+$0x118] =	vst.add.f32.msk $0xffff, v1  }
0xb3: {  	v1 =	vld [tilespmem:s25+$0xFFFFFFE0];
	_ =	sdelay $0x4  }
0xb4: {  	[tilespmem:s0+$0x128] =	vst.add.f32.msk $0xffff, v1  }
0xb5: {  	v1 =	vld [tilespmem:s25+$0xFFFFFFF0];
	_ =	sdelay $0x4  }
0xb6: {  	[tilespmem:s0+$0x138] =	vst.add.f32.msk $0xffff, v1  }
0xb7: {  	v1 =	vld [tilespmem:s25+$0x0];
	_ =	sdelay $0x4  }
0xb8: {  	[tilespmem:s0+$0x148] =	vst.add.f32.msk $0xffff, v1  }
0xb9: {  	v1 =	vld [tilespmem:s25+$0x10];
	_ =	sdelay $0x4  }
0xba: {  	[tilespmem:s0+$0x158] =	vst.add.f32.msk $0xffff, v1  }
0xbb: {  	v1 =	vld [tilespmem:s25+$0x20];
	_ =	sdelay $0x4  }
0xbc: {  	[tilespmem:s0+$0x168] =	vst.add.f32.msk $0xffff, v1  }
0xbd: {  	v1 =	vld [tilespmem:s25+$0x30];
	_ =	sdelay $0x4  }
0xbe: {  	[tilespmem:s0+$0x178] =	vst.add.f32.msk $0xffff, v1  }
.LBB2_17:
0xbf: {  	s26 =	sadd.s32 $0x1, s26  }
0xc0: {  	p1 =	seq.s32 s26, $0x0  }
.Ltmp11:
0xc1: {  	_ = 	snop;
	(pc) =	sbr.rel @p1 .LBB2_18-.Ltmp11, $2  }
0xc2: {  	_ =	sdelay $0x2  }
0xc3: {  	s23 =	sadd.s32 $0x1, s23;
	s25 =	sadd.s32 $0x80, s25;
	s29 =	smov.u32 s30  }
.LBB2_12:
0xc4: {  	v1 =	vld.msk [tilespmem:s23+$0x0], $0x1;
	_ =	sdelay $0x4  }
0xc5: {  	(v2sf) =	vpush v1, $0x0;
	_ =	sdelay $0xe  }
0xc6: {  	s30 =	spop (v2sf)  }
0xc7: {  	p1 =	sne.s32 s29, s30  }
.Ltmp12:
0xc8: {  	_ = 	snop;
	(pc) =	sbr.rel @!p1 .LBB2_13-.Ltmp12, $2  }
0xc9: {  	_ =	sdelay $0x2  }
0xca: {  	s0 =	sshll.u32 s22, $0x9  }
0xcb: {  	p1 =	seq.s32 s29, s24  }
.Ltmp13:
0xcc: {  	_ = 	snop;
	(pc) =	sbr.rel @!p1 .LBB2_15-.Ltmp13, $1  }
0xcd: {  	_ =	sdelay $0x3  }
0xce: {  	s0 =	sshra.s32 s0, $0x2  }
.Ltmp14:
0xcf: {  	s0 =	sadd.s32 $0x108, s0;
	(pc) =	sbr.rel .LBB2_16-.Ltmp14, $4  }
0xd0: {  	[spmem:s16] =	stream.linear.scatter [tilespmem:s0], [sflag:$0x1], $0x80, $0x38;
	[tilespmem:$0x1F6F8] =	vst v63  }
0xd1: {  	_ =	swait.ge [sflag:s12], $0x80  }
0xd2: {  	[sflag:s12] =	ssyncset.done $0x0  }
0xd3: {  	[sflag:s12] =	ssyncadd.s32 $0xFFFFFF80  }
.LBB2_15:
0xd4: {  	s2 =	sshll.u32 s28, $0x9  }
0xd5: {  	s2 =	sshra.s32 s2, $0x2  }
0xd6: {  	v1 =	vld [tilespmem:s2+$0x7988];
	_ =	sdelay $0x3  }
0xd7: {  	s0 =	sshra.s32 s0, $0x2  }
0xd8: {  	[tilespmem:s0+$0x108] =	vst.add.f32.msk $0xffff, v1  }
0xd9: {  	v1 =	vld [tilespmem:s2+$0x7998];
	_ =	sdelay $0x4  }
0xda: {  	[tilespmem:s0+$0x118] =	vst.add.f32.msk $0xffff, v1  }
0xdb: {  	v1 =	vld [tilespmem:s2+$0x79A8];
	_ =	sdelay $0x4  }
0xdc: {  	[tilespmem:s0+$0x128] =	vst.add.f32.msk $0xffff, v1  }
0xdd: {  	v1 =	vld [tilespmem:s2+$0x79B8];
	_ =	sdelay $0x4  }
0xde: {  	[tilespmem:s0+$0x138] =	vst.add.f32.msk $0xffff, v1  }
0xdf: {  	v1 =	vld [tilespmem:s2+$0x79C8];
	_ =	sdelay $0x4  }
0xe0: {  	[tilespmem:s0+$0x148] =	vst.add.f32.msk $0xffff, v1  }
0xe1: {  	v1 =	vld [tilespmem:s2+$0x79D8];
	_ =	sdelay $0x4  }
0xe2: {  	[tilespmem:s0+$0x158] =	vst.add.f32.msk $0xffff, v1  }
0xe3: {  	v1 =	vld [tilespmem:s2+$0x79E8];
	_ =	sdelay $0x4  }
0xe4: {  	[tilespmem:s0+$0x168] =	vst.add.f32.msk $0xffff, v1  }
0xe5: {  	v1 =	vld [tilespmem:s2+$0x79F8];
	_ =	sdelay $0x2  }
0xe6: {  	p1 =	sgt.u32 s29, $0x4E1F0  }
0xe7: {  	s2 =	sand.u32 @!p1 $0x7FFF8, s29  }
0xe8: {  	s3 =	sadd.s32 $0x108, s0;
	[tilespmem:s0+$0x178] =	vst.add.f32.msk $0xffff, v1;
	s0 =	sadd.s32 @!p1 s1, s2;
	s2 =	sand.u32 @!p1 $0x7, s29  }
0xe9: {  	[hbm4b:s0+s2] =	stream.linear.scatter @!p1 [tilespmem:s3], [sflag:$0xC], $0x80, $0x38;
	[tilespmem:$0x1F6F8] =	vst v63  }
0xea: {  	s0 =	simm.s32 $0x0  }
0xeb: {  	s0 =	simm.s32 @!p1 $0x200  }
0xec: {  	s31 =	sadd.s32 s0, s31  }
.LBB2_16:
0xed: {  	s0 =	sadd.s32 $0x1, s22  }
0xee: {  	s2 =	smulhi.u32 $0x88888889, s0;
	_ =	sdelay $0x1  }
0xef: {  	v1 =	vld [tilespmem:s25+$0xFFFFFFC0];
	s2 =	sshrl.u32 s2, $0x7  }
0xf0: {  	s2 =	smul.u32 $0xF0, s2;
	_ =	sdelay $0x1  }
0xf1: {  	s22 =	ssub.s32 s0, s2  }
0xf2: {  	s0 =	sshll.u32 s22, $0x7  }
0xf3: {  	[tilespmem:s0+$0x108] =	vst v1  }
0xf4: {  	v1 =	vld [tilespmem:s25+$0xFFFFFFD0];
	_ =	sdelay $0x4  }
0xf5: {  	[tilespmem:s0+$0x118] =	vst v1  }
0xf6: {  	v1 =	vld [tilespmem:s25+$0xFFFFFFE0];
	_ =	sdelay $0x4  }
0xf7: {  	[tilespmem:s0+$0x128] =	vst v1  }
0xf8: {  	v1 =	vld [tilespmem:s25+$0xFFFFFFF0];
	_ =	sdelay $0x4  }
0xf9: {  	[tilespmem:s0+$0x138] =	vst v1  }
0xfa: {  	v1 =	vld [tilespmem:s25+$0x0];
	_ =	sdelay $0x4  }
0xfb: {  	[tilespmem:s0+$0x148] =	vst v1  }
0xfc: {  	v1 =	vld [tilespmem:s25+$0x10];
	_ =	sdelay $0x4  }
0xfd: {  	[tilespmem:s0+$0x158] =	vst v1  }
0xfe: {  	v1 =	vld [tilespmem:s25+$0x20];
	_ =	sdelay $0x4  }
0xff: {  	[tilespmem:s0+$0x168] =	vst v1  }
0x100: {  	v1 =	vld [tilespmem:s25+$0x30]  }
.Ltmp15:
0x101: {  	_ = 	snop;
	(pc) =	sbr.rel .LBB2_17-.Ltmp15, $2  }
0x102: {  	_ =	sdelay $0x2  }
0x103: {  	s28 =	sadd.s32 $0x1, s28;
	[tilespmem:s0+$0x178] =	vst v1  }
.LBB2_19:
.Ltmp16:
0x104: {  	(pc) =	sbr.rel .LBB2_20-.Ltmp16, $4  }
0x105: {  	_ = 	snop  }
0x106: {  	s0 =	simm.s32 $0x2  }
0x107: {  	_ =	swait.ge [sflag:s0], $0x0  }
0x108: {  	s30 =	smov.u32 s29;
	[sflag:s0] =	ssyncset.done $0x0;
	s0 =	simm.s32 $0x0  }
.LBB2_22:
0x109: {  	_ =	sfence.sel $0x180000  }
0x10a: {  	s0 =	simm.s32 $0x9;
	[bflag:$0x0] =	sbarrier.arrive $0xFFFF  }
0x10b: {  	s24 =	simm.s32 $0xA;
	[sflag:s0] =	ssyncpa.u1 $0x1  }
0x10c: {  	s25 =	simm.s32 $0xB;
	[sflag:s24] =	ssyncpa.u1 $0x1  }
0x10d: {  	s26 =	simm.s32 $0x2;
	[sflag:s25] =	ssyncpa.u1 $0x1  }
0x10e: {  	[sflag:s26] =	ssyncpa.u1 $0x1  }
0x10f: {  	v0 =	vld [tilespmem:$0xF208];
	_ =	sdelay $0x4  }
0x110: {  	(v2sf) =	vpush v0, $0x0  }
0x111: {  	(v2sf) =	vpush v0, $0x1;
	_ =	sdelay $0x1  }
0x112: {  	(v2sf) =	vpush v0, $0x2;
	_ =	sdelay $0xb  }
0x113: {  	s0 =	spop (v2sf)  }
0x114: {  	s2 =	spop (v2sf)  }
0x115: {  	s3 =	smov.u32 s0;
	p0 =	sne.s32 s0, s2  }
0x116: {  	s4 =	spop (v2sf);
	s3 =	simm.s32 @!p0 $0xFFFFFFFF  }
0x117: {  	v2 =	vimm.s32 $0x1;
	v3 =	vlaneseq.u32;
	p0 =	seq.s32 s4, $0xFFFFFFFF;
	v1 =	vmov s3  }
0x118: {  	s16 =	stileid.u32;
	v0 =	vperm.xlane v0, v2;
	p1 =	sne.s32 @!p0 s0, s2;
	v1 =	vperm.xlane v1, v3  }
0x119: {  	vm0 =	vcmask $0x3F04;
	s6 =	simm.s32 $0xF208;
	s0 =	simm.s32 @!p0 $0x1;
	p1 =	por !p1, p0  }
0x11a: {  	s3 =	sshll.u32 s16, $0x1;
	s2 =	sshll.u32 @!p0 s4, $0x9;
	s0 =	simm.s32 @p1 $0x0;
	v0 =	vsel vm0, v1, v0  }
0x11b: {  	s5 =	sor.u32 $0x1000, s3;
	s2 =	sshra.s32 @!p0 s2, $0x2;
	s0 =	sor.u32 @!p0 s0, s3;
	[tilespmem:$0xF208] =	vst v0  }
0x11c: {  	[spmem:s5] =	stream.linear.scatter [tilespmem:s6], [sflag:$0x1], $0x2, $0x38;
	[tilespmem:$0x1F6F8] =	vst v63  }
0x11d: {  	s2 =	sadd.s32 @!p0 $0x108, s2;
	s0 =	sshll.u32 @!p0 s0, $0x7  }
0x11e: {  	[spmem:s0] =	stream.linear.scatter @!p0 [tilespmem:s2], [sflag:$0x1], $0x80, $0x38;
	[tilespmem:$0x1F6F8] =	vst v63  }
0x11f: {  	s0 =	simm.s32 @!p0 $0x82  }
0x120: {  	s28 =	simm.s32 $0x1;
	s0 =	simm.s32 @p0 $0x2  }
0x121: {  	_ =	swait.ge [sflag:s28], s0  }
0x122: {  	s0 =	ssub.s32 $0x0, s0;
	[sflag:s28] =	ssyncset.done $0x0  }
0x123: {  	p0 =	sne.s32 s16, $0x0;
	[sflag:s28] =	ssyncadd.s32 s0  }
.Ltmp17:
0x124: {  	_ =	sfence.stream.spmem;
	(pc) =	sbr.rel @p0 .LBB2_39-.Ltmp17, $4  }
0x125: {  	s29 =	simm.s32 $0x3;
	[bflag:$0x0] =	sbarrier.arrive $0xFFFF  }
0x126: {  	s30 =	simm.s32 $0x4;
	[sflag:s29] =	ssyncpa.u1 $0x1  }
0x127: {  	s31 =	simm.s32 $0x3C;
	[sflag:s30] =	ssyncpa.u1 $0x1  }
0x128: {  	s15 =	rddreg [dreg:$0x4];
	[sflag:s31] =	ssyncpa.u1 $0x1  }
0x129: {  	_ =	sfence.stream.spmem;
	s0 =	simm.s32 $0x5  }
0x12a: {  	s2 =	simm.s32 $0x1000;
	s3 =	simm.s32 $0xF218;
	[sflag:s0] =	ssyncpa.u1 $0x0  }
0x12b: {  	[tilespmem:s3], [sflag:$0x5] =	stream.linear.gather [spmem:s2], $0x20, $0x38;
	[tilespmem:$0x1F6F8] =	vst v63  }
0x12c: {  	s26 =	simm.s32 $0x0;
	s28 =	simm.s32 $0xF238  }
0x12d: {  	[tilespmem:s28], [sflag:$0x5] =	stream.linear.gather [spmem:s26], $0x1000, $0x38;
	[tilespmem:$0x1F6F8] =	vst v63  }
0x12e: {  	_ =	swait.ge [sflag:s0], $0x1020  }
0x12f: {  	[sflag:s0] =	ssyncset.done $0x0  }
0x130: {  	s29 =	simm.s32 $0x0;
	[sflag:s0] =	ssyncadd.s32 $0xFFFFEFE0  }
0x131: {  	v0 =	vld.msk [tilespmem:s29+$0xF218], $0x1;
	_ =	sdelay $0x1  }
0x132: {  	s30 =	simm.s32 $0x1  }
0x133: {  	v1 =	vld.msk [tilespmem:s30+$0xF218], $0x1;
	_ =	sdelay $0x1  }
0x134: {  	(v2sf) =	vpush v0, $0x0;
	_ =	sdelay $0x2  }
0x135: {  	(v2sf) =	vpush v1, $0x0;
	_ =	sdelay $0x2  }
0x136: {  	s31 =	simm.s32 $0x2  }
0x137: {  	v0 =	vld.msk [tilespmem:s31+$0xF218], $0x1;
	_ =	sdelay $0x2  }
0x138: {  	s4 =	simm.s32 $0xFFFFFFFF;
	s5 =	simm.s32 $0xFFFFFFFF;
	s0 =	simm.s32 $0xC  }
.LBB2_24:
0x139: {  	s2 =	smov.u32 s5;
	s3 =	smov.u32 s4  }
0x13a: {  	s4 =	sshra.s32 s0, $0x2;
	p1 =	sne.s32 s0, $0x7C;
	s0 =	sadd.s32 $0x4, s0;
	(v2sf) =	vpush v0, $0x0  }
0x13b: {  	v0 =	vld.msk [tilespmem:s4+$0xF218], $0x1  }
.Ltmp18:
0x13c: {  	(pc) =	sbr.rel @p1 .LBB2_24-.Ltmp18, $4  }
0x13d: {  	s5 =	spop (v2sf)  }
0x13e: {  	p2 =	sne.s32 s3, $0xFFFFFFFF;
	s4 =	smov.u32 s5  }
0x13f: {  	p3 =	seq.s32 s5, $0xFFFFFFFF;
	s4 =	smov.u32 @p2 s3  }
0x140: {  	s5 =	smov.u32 @p3 s2;
	s4 =	smov.u32 @p3 s3  }
0x141: {  	(v2sf) =	vpush v0, $0x0;
	_ =	sdelay $0x8  }
0x142: {  	s0 =	spop (v2sf)  }
0x143: {  	p1 =	sne.s32 s4, $0xFFFFFFFF;
	s2 =	smov.u32 s0  }
0x144: {  	s9 =	simm.s32 $0x6;
	p2 =	seq.s32 s0, $0xFFFFFFFF;
	s2 =	smov.u32 @p1 s4  }
0x145: {  	s6 =	simm.s32 $0x0;
	s2 =	smov.u32 @p2 s4;
	s3 =	spop (v2sf)  }
0x146: {  	s0 =	smov.u32 @p2 s5;
	p1 =	sne.s32 s2, $0xFFFFFFFF;
	s4 =	smov.u32 s3  }
.Ltmp19:
0x147: {  	p2 =	seq.s32 s3, $0xFFFFFFFF;
	s4 =	smov.u32 @p1 s2;
	(pc) =	sbr.rel .LBB2_26-.Ltmp19, $4  }
0x148: {  	s10 =	simm.s32 $0xF188;
	s4 =	smov.u32 @p2 s2;
	s7 =	spop (v2sf)  }
0x149: {  	s11 =	simm.s32 $0x0;
	p1 =	sne.s32 s4, $0xFFFFFFFF;
	s8 =	smov.u32 s7  }
0x14a: {  	s3 =	smov.u32 @p2 s0;
	p2 =	seq.s32 s7, $0xFFFFFFFF;
	s8 =	smov.u32 @p1 s4  }
0x14b: {  	[sflag:s9] =	ssyncpa.u1 $0x0;
	s7 =	smov.u32 @p2 s3;
	s8 =	smov.u32 @p2 s4  }
.LBB2_32:
0x14c: {  	p1 =	sgt.u32 s12, $0x4E1F0  }
0x14d: {  	p2 =	seq.s32 @!p1 s12, s8  }
0x14e: {  	p1 =	por p1, p2  }
0x14f: {  	p2 =	sne.s32 @!p1 s12, s7  }
0x150: {  	p1 =	por p1, !p2  }
0x151: {  	s0 =	sshll.u32 @p1 s11, $0x9  }
0x152: {  	s0 =	sand.u32 @!p1 $0x7FFF8, s12  }
0x153: {  	s2 =	sand.u32 @!p1 $0x7, s12;
	s0 =	sadd.s32 @!p1 s1, s0  }
0x154: {  	[tilespmem:s10], [sflag:$0x6] =	stream.linear.gather @!p1 [hbm4b:s0+s2], $0x80, $0x38;
	[tilespmem:$0x1F6F8] =	vst v63  }
0x155: {  	_ =	swait.ge @!p1 [sflag:s9], $0x80  }
0x156: {  	[sflag:s9] =	ssyncset.done @!p1 $0x0  }
0x157: {  	[sflag:s9] =	ssyncadd.s32 @!p1 $0xFFFFFF80  }
0x158: {  	v1 =	vld @!p1 [tilespmem:$0xF188];
	_ =	sdelay $0x2  }
0x159: {  	s0 =	sshll.u32 @!p1 s11, $0x9  }
0x15a: {  	s2 =	sshrl.u32 @!p1 s0, $0x2  }
0x15b: {  	[tilespmem:s2+$0xF238] =	vst.add.f32.msk @!p1 $0xffff, v1  }
0x15c: {  	v1 =	vld @!p1 [tilespmem:$0xF198];
	_ =	sdelay $0x4  }
0x15d: {  	[tilespmem:s2+$0xF248] =	vst.add.f32.msk @!p1 $0xffff, v1  }
0x15e: {  	v1 =	vld @!p1 [tilespmem:$0xF1A8];
	_ =	sdelay $0x4  }
0x15f: {  	[tilespmem:s2+$0xF258] =	vst.add.f32.msk @!p1 $0xffff, v1  }
0x160: {  	v1 =	vld @!p1 [tilespmem:$0xF1B8];
	_ =	sdelay $0x4  }
0x161: {  	[tilespmem:s2+$0xF268] =	vst.add.f32.msk @!p1 $0xffff, v1  }
0x162: {  	v1 =	vld @!p1 [tilespmem:$0xF1C8];
	_ =	sdelay $0x4  }
0x163: {  	[tilespmem:s2+$0xF278] =	vst.add.f32.msk @!p1 $0xffff, v1  }
0x164: {  	v1 =	vld @!p1 [tilespmem:$0xF1D8];
	_ =	sdelay $0x4  }
0x165: {  	[tilespmem:s2+$0xF288] =	vst.add.f32.msk @!p1 $0xffff, v1  }
0x166: {  	v1 =	vld @!p1 [tilespmem:$0xF1E8];
	_ =	sdelay $0x4  }
0x167: {  	[tilespmem:s2+$0xF298] =	vst.add.f32.msk @!p1 $0xffff, v1  }
0x168: {  	v1 =	vld @!p1 [tilespmem:$0xF1F8];
	_ =	sdelay $0x4  }
0x169: {  	[tilespmem:s2+$0xF2A8] =	vst.add.f32.msk @!p1 $0xffff, v1  }
0x16a: {  	s0 =	sshrl.u32 s0, $0x2;
	[tilespmem:s6+$0xF218] =	vst.msk $0x1, v0  }
0x16b: {  	v0 =	vld [tilespmem:s0+$0xF238];
	_ =	sdelay $0x2  }
0x16c: {  	s31 =	sshll.u32 s6, $0x9  }
0x16d: {  	s2 =	sshra.s32 s31, $0x2  }
0x16e: {  	[tilespmem:s2+$0xF238] =	vst v0  }
0x16f: {  	v0 =	vld [tilespmem:s0+$0xF248];
	_ =	sdelay $0x4  }
0x170: {  	[tilespmem:s2+$0xF248] =	vst v0  }
0x171: {  	v0 =	vld [tilespmem:s0+$0xF258];
	_ =	sdelay $0x4  }
0x172: {  	[tilespmem:s2+$0xF258] =	vst v0  }
0x173: {  	v0 =	vld [tilespmem:s0+$0xF268];
	_ =	sdelay $0x4  }
0x174: {  	[tilespmem:s2+$0xF268] =	vst v0  }
0x175: {  	v0 =	vld [tilespmem:s0+$0xF278];
	_ =	sdelay $0x4  }
0x176: {  	[tilespmem:s2+$0xF278] =	vst v0  }
0x177: {  	v0 =	vld [tilespmem:s0+$0xF288];
	_ =	sdelay $0x4  }
0x178: {  	[tilespmem:s2+$0xF288] =	vst v0  }
0x179: {  	v0 =	vld [tilespmem:s0+$0xF298];
	_ =	sdelay $0x4  }
0x17a: {  	[tilespmem:s2+$0xF298] =	vst v0  }
0x17b: {  	v0 =	vld [tilespmem:s0+$0xF2A8];
	_ =	sdelay $0x4  }
0x17c: {  	s6 =	sadd.s32 $0x1, s6;
	[tilespmem:s2+$0xF2A8] =	vst v0  }
.LBB2_33:
0x17d: {  	s11 =	sadd.s32 $0x1, s11  }
0x17e: {  	p1 =	sne.s32 s11, $0x20  }
.Ltmp20:
0x17f: {  	_ = 	snop;
	(pc) =	sbr.rel @!p1 .LBB2_34-.Ltmp20, $1  }
0x180: {  	_ =	sdelay $0x3  }
.LBB2_26:
0x181: {  	v0 =	vld.msk [tilespmem:s11+$0xF218], $0x1;
	_ =	sdelay $0x4  }
0x182: {  	(v2sf) =	vpush v0, $0x0;
	_ =	sdelay $0xe  }
0x183: {  	s12 =	spop (v2sf)  }
0x184: {  	p1 =	seq.s32 s12, $0xFFFFFFFF  }
.Ltmp21:
0x185: {  	_ = 	snop;
	(pc) =	sbr.rel @p1 .LBB2_33-.Ltmp21, $1  }
0x186: {  	_ =	sdelay $0x3  }
0x187: {  	p1 =	slt.s32 s6, $0x1  }
.Ltmp22:
0x188: {  	_ = 	snop;
	(pc) =	sbr.rel @p1 .LBB2_32-.Ltmp22, $1  }
0x189: {  	_ =	sdelay $0x3  }
0x18a: {  	s13 =	simm.s32 $0xF218;
	p1 =	por $0x0, $0x0  }
0x18b: {  	v1 =	vld.msk @!p1 [tilespmem:s13+$0x0], $0x1;
	_ =	sdelay $0x4  }
0x18c: {  	(v2sf) =	vpush @!p1 v1, $0x0;
	_ =	sdelay $0xd  }
0x18d: {  	p3 =	sne.s32 s6, $0x1  }
.Ltmp23:
0x18e: {  	s0 =	spop @!p1 (v2sf);
	(pc) =	sbr.rel @!p3 .LBB2_30-.Ltmp23, $4  }
0x18f: {  	p2 =	seq.s32 @!p1 s12, s0  }
0x190: {  	s14 =	simm.s32 $0x0;
	p2 =	por !p2, p1  }
0x191: {  	s2 =	simm.s32 $0xFFFFFFFF;
	s14 =	simm.s32 @p2 $0xFFFFFFFF  }
0x192: {  	s0 =	simm.s32 $0x1;
	s14 =	smov.u32 @p1 s2  }
.LBB2_29:
0x193: {  	s2 =	smov.u32 s14;
	p1 =	sne.s32 s14, $0xFFFFFFFF  }
0x194: {  	s13 =	sadd.s32 $0x1, s13;
	s14 =	smov.u32 s0;
	s0 =	sadd.s32 $0x1, s0  }
0x195: {  	p2 =	sne.s32 s6, s0;
	v1 =	vld.msk @!p1 [tilespmem:s13+$0x0], $0x1;
	_ =	sdelay $0x4  }
0x196: {  	(v2sf) =	vpush @!p1 v1, $0x0;
	_ =	sdelay $0xe  }
.Ltmp24:
0x197: {  	s3 =	spop @!p1 (v2sf);
	(pc) =	sbr.rel @p2 .LBB2_29-.Ltmp24, $4  }
0x198: {  	p3 =	seq.s32 @!p1 s12, s3  }
0x199: {  	p3 =	por !p3, p1  }
0x19a: {  	s14 =	simm.s32 @p3 $0xFFFFFFFF  }
0x19b: {  	s14 =	smov.u32 @p1 s2  }
.LBB2_30:
0x19c: {  	p1 =	seq.s32 s14, $0xFFFFFFFF  }
.Ltmp25:
0x19d: {  	_ = 	snop;
	(pc) =	sbr.rel @p1 .LBB2_32-.Ltmp25, $1  }
0x19e: {  	_ =	sdelay $0x3  }
0x19f: {  	s0 =	sshll.u32 s11, $0x7  }
0x1a0: {  	s0 =	sand.u32 $0x3FFFFF80, s0  }
0x1a1: {  	v0 =	vld [tilespmem:s0+$0xF238];
	_ =	sdelay $0x2  }
0x1a2: {  	s2 =	sshll.u32 s14, $0x9  }
0x1a3: {  	s2 =	sshra.s32 s2, $0x2  }
0x1a4: {  	[tilespmem:s2+$0xF238] =	vst.add.f32.msk $0xffff, v0  }
0x1a5: {  	v0 =	vld [tilespmem:s0+$0xF248];
	_ =	sdelay $0x4  }
0x1a6: {  	[tilespmem:s2+$0xF248] =	vst.add.f32.msk $0xffff, v0  }
0x1a7: {  	v0 =	vld [tilespmem:s0+$0xF258];
	_ =	sdelay $0x4  }
0x1a8: {  	[tilespmem:s2+$0xF258] =	vst.add.f32.msk $0xffff, v0  }
0x1a9: {  	v0 =	vld [tilespmem:s0+$0xF268];
	_ =	sdelay $0x4  }
0x1aa: {  	[tilespmem:s2+$0xF268] =	vst.add.f32.msk $0xffff, v0  }
0x1ab: {  	v0 =	vld [tilespmem:s0+$0xF278];
	_ =	sdelay $0x4  }
0x1ac: {  	[tilespmem:s2+$0xF278] =	vst.add.f32.msk $0xffff, v0  }
0x1ad: {  	v0 =	vld [tilespmem:s0+$0xF288];
	_ =	sdelay $0x4  }
0x1ae: {  	[tilespmem:s2+$0xF288] =	vst.add.f32.msk $0xffff, v0  }
0x1af: {  	v0 =	vld [tilespmem:s0+$0xF298];
	_ =	sdelay $0x4  }
0x1b0: {  	[tilespmem:s2+$0xF298] =	vst.add.f32.msk $0xffff, v0  }
0x1b1: {  	v0 =	vld [tilespmem:s0+$0xF2A8]  }
.Ltmp26:
0x1b2: {  	_ = 	snop;
	(pc) =	sbr.rel .LBB2_33-.Ltmp26, $2  }
0x1b3: {  	_ =	sdelay $0x2  }
0x1b4: {  	[tilespmem:s2+$0xF2A8] =	vst.add.f32.msk $0xffff, v0  }
.LBB2_34:
0x1b5: {  	s0 =	simm.s32 $0x6;
	p1 =	seq.s32 s6, $0x0  }
0x1b6: {  	[sflag:s0] =	ssyncpa.u1 $0x1;
	v0 =	vimm.s32 @p1 $0xFFFFFFFF  }
0x1b7: {  	s9 =	sadd.s32 $0xFFFFFFFF, s6;
	[tilespmem:$0x10238] =	vst @p1 v0  }
0x1b8: {  	v0 =	vld.msk @!p1 [tilespmem:s9+$0xF218], $0x1;
	_ =	sdelay $0x1  }
0x1b9: {  	v1 =	vld.msk @!p1 [tilespmem:$0xF218], $0x1;
	_ =	sdelay $0x2  }
0x1ba: {  	p2 =	seq.s32 @!p1 s9, $0x0;
	v0 =	vbroadcast @!p1 v0, $0x0  }
0x1bb: {  	vm0 =	vmmov @!p1 $0x1;
	p2 =	por !p2, p1  }
0x1bc: {  	v1 =	vnsel @!p1 vm0, $0xFFFFFFFF, v1;
	vm0 =	vcmask @!p1 $0x308;
	v0 =	vpsel !p2, $0xFFFFFFFF, v0  }
0x1bd: {  	p2 =	sne.s32 @!p1 s8, s7;
	v0 =	vsel @!p1 vm0, v1, v0  }
0x1be: {  	s0 =	simm.s32 @!p1 $0xF238;
	s2 =	simm.s32 @!p1 $0x0;
	p3 =	por !p2, p1;
	[tilespmem:$0x10238] =	vst @!p1 v0  }
0x1bf: {  	[spmem:s2] =	stream.linear.scatter @!p1 [tilespmem:s0], [sflag:$0x1], $0x80, $0x38;
	[tilespmem:$0x1F6F8] =	vst v63  }
0x1c0: {  	s0 =	sshll.u32 @!p3 s9, $0x9  }
0x1c1: {  	s0 =	sshra.s32 @!p3 s0, $0x2  }
0x1c2: {  	s2 =	simm.s32 @!p3 $0x80;
	s0 =	sadd.s32 @!p3 $0xF238, s0  }
0x1c3: {  	[spmem:s2] =	stream.linear.scatter @!p3 [tilespmem:s0], [sflag:$0x1], $0x80, $0x38;
	[tilespmem:$0x1F6F8] =	vst v63  }
0x1c4: {  	s0 =	simm.s32 @!p3 $0x1  }
0x1c5: {  	_ =	swait.ge @!p3 [sflag:s0], $0x100  }
0x1c6: {  	p1 =	por p2, p1;
	[sflag:s0] =	ssyncset.done @!p3 $0x0  }
0x1c7: {  	[sflag:s0] =	ssyncadd.s32 @!p3 $0xFFFFFF00;
	s0 =	simm.s32 @!p1 $0x1  }
0x1c8: {  	_ =	swait.ge @!p1 [sflag:s0], $0x80  }
0x1c9: {  	s29 =	simm.s32 $0x10238;
	[sflag:s0] =	ssyncset.done @!p1 $0x0  }
0x1ca: {  	s30 =	simm.s32 $0x1000;
	s31 =	simm.s32 $0x1;
	[sflag:s0] =	ssyncadd.s32 @!p1 $0xFFFFFF80  }
0x1cb: {  	[spmem:s30] =	stream.linear.scatter [tilespmem:s29], [sflag:$0x1], $0x10, $0x38;
	[tilespmem:$0x1F6F8] =	vst v63  }
0x1cc: {  	_ =	swait.ge [sflag:s31], $0x10  }
0x1cd: {  	[sflag:s31] =	ssyncset.done $0x0  }
0x1ce: {  	p1 =	seq.s32 s15, $0x0;
	s8 =	rddreg [dreg:$0x1];
	[sflag:s31] =	ssyncadd.s32 $0xFFFFFFF0  }
0x1cf: {  	s2 =	sshll.u32 @p1 s8, $0xE;
	s7 =	rddreg [dreg:$0x2]  }
0x1d0: {  	s0 =	sadd.s32 @p1 $0x15C3C, s2;
	s2 =	sshll.u32 @p1 s7, $0x11  }
0x1d1: {  	_ =	sfence.stream.spmem;
	s0 =	sor.u32 @p1 s2, s0  }
0x1d2: {  	[sflag:s0] =	ssyncadd.remote.s32 @p1 $0x1;
	s0 =	simm.s32 @p1 $0x4  }
0x1d3: {  	s3 =	simm.s32 @!p1 $0x3C;
	s2 =	sand.u32 $0xFFFFFFFE, s8;
	_ =	swait.ge @p1 [sflag:s0], $0x22  }
0x1d4: {  	s4 =	simm.s32 @!p1 $0x0;
	s2 =	sadd.s32 @!p1 $0x4, s2;
	[sflag:s0] =	ssyncset.done @p1 $0x0  }
0x1d5: {  	s5 =	simm.s32 @!p1 $0x100;
	[sflag:s0] =	ssyncadd.s32 @p1 $0xFFFFFFDE;
	s0 =	sshll.u32 @!p1 s2, $0x1A  }
0x1d6: {  	s2 =	sshll.u32 @!p1 s2, $0xD;
	s0 =	sor.u32 @!p1 s0, s7;
	_ =	swait.eq @!p1 [sflag:s3], $0x1  }
0x1d7: {  	s2 =	sor.u32 @!p1 $0x1C04, s2;
	s3 =	simm.s32 @!p1 $0x1C03;
	s0 =	sor.u32 @!p1 $0x80004000, s0  }
0x1d8: {  	[spmem:s5], [sflag:s2] =	dma.general @!p1 [spmem:s4], [sflag:s3], length:$0x20, [dreg:$0x0], stride_count:$0x0, ici_dest:s0, dma_misc:DstOpCode:WRITE  }
0x1d9: {  	p2 =	slt.s32 s9, $0x2;
	s4 =	simm.s32 @!p1 $0x200;
	s5 =	simm.s32 @!p1 $0x202  }
0x1da: {  	[spmem:s5], [sflag:s2] =	dma.general @!p1 [spmem:s4], [sflag:s3], length:$0x2, [dreg:$0x0], stride_count:$0x0, ici_dest:s0, dma_misc:DstOpCode:WRITE  }
.Ltmp27:
0x1db: {  	s0 =	simm.s32 @!p1 $0x3;
	(pc) =	sbr.rel @p2 .LBB2_38-.Ltmp27, $4  }
0x1dc: {  	s2 =	sshll.u32 @!p1 s8, $0xE;
	_ =	swait.ge @!p1 [sflag:s0], $0x22  }
0x1dd: {  	s3 =	sshll.u32 @!p1 s7, $0x11;
	s2 =	sadd.s32 @!p1 $0x11C3C, s2;
	[sflag:s0] =	ssyncset.done @!p1 $0x0  }
0x1de: {  	[sflag:s0] =	ssyncadd.s32 @!p1 $0xFFFFFFDE;
	s0 =	sor.u32 @!p1 s3, s2  }
0x1df: {  	[sflag:s0] =	ssyncadd.remote.s32 @!p1 $0xFFFFFFFF;
	s0 =	simm.s32 $0x0  }
0x1e0: {  	s0 =	simm.s32 $0xF219  }
0x1e1: {  	v0 =	vld.msk [tilespmem:s0+$0x0], $0x1;
	_ =	sdelay $0x4  }
0x1e2: {  	(v2sf) =	vpush v0, $0x0;
	_ =	sdelay $0xb  }
0x1e3: {  	s31 =	sadd.s32 $0xFFFFFFFE, s6  }
0x1e4: {  	s0 =	sadd.s32 $0xFFFFFFFF, s31  }
0x1e5: {  	p2 =	sne.s32 s0, $0x0  }
.Ltmp28:
0x1e6: {  	s2 =	spop (v2sf);
	(pc) =	sbr.rel @!p2 .LBB2_37-.Ltmp28, $4  }
0x1e7: {  	s4 =	simm.s32 $0xF2B8;
	s7 =	simm.s32 $0x0;
	p1 =	sgt.u32 s2, $0x4E1F0  }
0x1e8: {  	s5 =	simm.s32 $0x0;
	s6 =	simm.s32 $0xF21A;
	s3 =	sand.u32 @!p1 $0x7FFF8, s2  }
0x1e9: {  	s2 =	sand.u32 @!p1 $0x7, s2;
	s7 =	simm.s32 @!p1 $0x200;
	s3 =	sadd.s32 @!p1 s1, s3  }
0x1ea: {  	[hbm4b:s3+s2] =	stream.linear.scatter @!p1 [tilespmem:s4], [sflag:$0x5], $0x80, $0x38;
	[tilespmem:$0x1F6F8] =	vst v63  }
.LBB2_36:
0x1eb: {  	v0 =	vld.msk [tilespmem:s6+$0x0], $0x1;
	s0 =	sadd.s32 $0xFFFFFFFF, s0;
	s5 =	sadd.s32 s5, s7  }
0x1ec: {  	p1 =	sne.s32 s0, $0x0;
	_ =	sdelay $0x3  }
0x1ed: {  	(v2sf) =	vpush v0, $0x0;
	_ =	sdelay $0xe  }
.Ltmp29:
0x1ee: {  	s2 =	spop (v2sf);
	(pc) =	sbr.rel @p1 .LBB2_36-.Ltmp29, $4  }
0x1ef: {  	s7 =	simm.s32 $0x0;
	p2 =	sgt.u32 s2, $0x4E1F0  }
0x1f0: {  	s4 =	sadd.s32 $0x80, s4;
	s7 =	simm.s32 @!p2 $0x200;
	s3 =	sand.u32 @!p2 $0x7FFF8, s2  }
0x1f1: {  	s6 =	sadd.s32 $0x1, s6;
	s2 =	sand.u32 @!p2 $0x7, s2;
	s3 =	sadd.s32 @!p2 s1, s3  }
0x1f2: {  	[hbm4b:s3+s2] =	stream.linear.scatter @!p2 [tilespmem:s4], [sflag:$0x5], $0x80, $0x38;
	[tilespmem:$0x1F6F8] =	vst v63  }
.LBB2_37:
0x1f3: {  	s0 =	sadd.s32 s5, s7  }
0x1f4: {  	s0 =	sshrl.u32 s0, $0x2  }
.LBB2_38:
0x1f5: {  	s2 =	simm.s32 $0x5  }
0x1f6: {  	_ =	swait.ge [sflag:s2], s0  }
0x1f7: {  	s31 =	ssub.s32 $0x0, s0;
	[sflag:s2] =	ssyncset.done $0x0  }
0x1f8: {  	[sflag:s2] =	ssyncadd.s32 s31  }
0x1f9: {  	[sflag:s2] =	ssyncpa.u1 $0x1  }
.LBB2_39:
0x1fa: {  	s0 =	sor.u32 s15, s16  }
0x1fb: {  	p1 =	sne.s32 s0, $0x0  }
.Ltmp30:
0x1fc: {  	_ = 	snop;
	(pc) =	sbr.rel @p1 .LBB2_54-.Ltmp30, $3  }
0x1fd: {  	_ =	sdelay $0x1  }
0x1fe: {  	[bflag:$0x0] =	sbarrier.arrive $0xFFFF  }
0x1ff: {  	_ =	sfence  }
0x200: {  	s0 =	simm.s32 $0x7  }
0x201: {  	s2 =	simm.s32 $0x1000;
	s3 =	simm.s32 $0xF218;
	[sflag:s0] =	ssyncpa.u1 $0x0  }
0x202: {  	[tilespmem:s3], [sflag:$0x7] =	stream.linear.gather [spmem:s2], $0x20, $0x38;
	[tilespmem:$0x1F6F8] =	vst v63  }
0x203: {  	s30 =	simm.s32 $0xF238;
	s2 =	simm.s32 $0x0  }
0x204: {  	[tilespmem:s30], [sflag:$0x7] =	stream.linear.gather [spmem:s2], $0x1000, $0x38;
	[tilespmem:$0x1F6F8] =	vst v63  }
.Ltmp31:
0x205: {  	_ = 	snop;
	(pc) =	sbr.rel .LBB2_41-.Ltmp31, $4  }
0x206: {  	_ =	swait.ge [sflag:s0], $0x1020  }
0x207: {  	[sflag:s0] =	ssyncset.done $0x0  }
0x208: {  	s31 =	simm.s32 $0x8;
	[sflag:s0] =	ssyncadd.s32 $0xFFFFEFE0  }
0x209: {  	s3 =	simm.s32 $0x0;
	[sflag:s31] =	ssyncpa.u1 $0x0  }
.LBB2_47:
0x20a: {  	p1 =	slt.u32 s4, $0x4E1F1  }
0x20b: {  	s0 =	sand.u32 @p1 $0x7FFF8, s4  }
0x20c: {  	s4 =	sand.u32 @p1 $0x7, s4;
	s5 =	simm.s32 @p1 $0xF188;
	s0 =	sadd.s32 @p1 s1, s0  }
0x20d: {  	[tilespmem:s5], [sflag:$0x8] =	stream.linear.gather @p1 [hbm4b:s0+s4], $0x80, $0x38;
	[tilespmem:$0x1F6F8] =	vst v63  }
0x20e: {  	s0 =	simm.s32 @p1 $0x8  }
0x20f: {  	_ =	swait.ge @p1 [sflag:s0], $0x80  }
0x210: {  	[sflag:s0] =	ssyncset.done @p1 $0x0  }
0x211: {  	[sflag:s0] =	ssyncadd.s32 @p1 $0xFFFFFF80  }
0x212: {  	v1 =	vld @p1 [tilespmem:$0xF188];
	_ =	sdelay $0x2  }
0x213: {  	s0 =	sshll.u32 @p1 s3, $0x9  }
0x214: {  	s4 =	sshrl.u32 @p1 s0, $0x2  }
0x215: {  	[tilespmem:s4+$0xF238] =	vst.add.f32.msk @p1 $0xffff, v1  }
0x216: {  	v1 =	vld @p1 [tilespmem:$0xF198];
	_ =	sdelay $0x4  }
0x217: {  	[tilespmem:s4+$0xF248] =	vst.add.f32.msk @p1 $0xffff, v1  }
0x218: {  	v1 =	vld @p1 [tilespmem:$0xF1A8];
	_ =	sdelay $0x4  }
0x219: {  	[tilespmem:s4+$0xF258] =	vst.add.f32.msk @p1 $0xffff, v1  }
0x21a: {  	v1 =	vld @p1 [tilespmem:$0xF1B8];
	_ =	sdelay $0x4  }
0x21b: {  	[tilespmem:s4+$0xF268] =	vst.add.f32.msk @p1 $0xffff, v1  }
0x21c: {  	v1 =	vld @p1 [tilespmem:$0xF1C8];
	_ =	sdelay $0x4  }
0x21d: {  	[tilespmem:s4+$0xF278] =	vst.add.f32.msk @p1 $0xffff, v1  }
0x21e: {  	v1 =	vld @p1 [tilespmem:$0xF1D8];
	_ =	sdelay $0x4  }
0x21f: {  	[tilespmem:s4+$0xF288] =	vst.add.f32.msk @p1 $0xffff, v1  }
0x220: {  	v1 =	vld @p1 [tilespmem:$0xF1E8];
	_ =	sdelay $0x4  }
0x221: {  	[tilespmem:s4+$0xF298] =	vst.add.f32.msk @p1 $0xffff, v1  }
0x222: {  	v1 =	vld @p1 [tilespmem:$0xF1F8];
	_ =	sdelay $0x3  }
0x223: {  	s5 =	sshll.u32 @!p1 s3, $0x9  }
0x224: {  	s5 =	smov.u32 @p1 s0;
	[tilespmem:s4+$0xF2A8] =	vst.add.f32.msk @p1 $0xffff, v1  }
0x225: {  	s0 =	sshrl.u32 s5, $0x2;
	[tilespmem:s2+$0xF218] =	vst.msk $0x1, v0  }
0x226: {  	v0 =	vld [tilespmem:s0+$0xF238];
	_ =	sdelay $0x2  }
0x227: {  	s31 =	sshll.u32 s2, $0x9  }
0x228: {  	s4 =	sshra.s32 s31, $0x2  }
0x229: {  	[tilespmem:s4+$0xF238] =	vst v0  }
0x22a: {  	v0 =	vld [tilespmem:s0+$0xF248];
	_ =	sdelay $0x4  }
0x22b: {  	[tilespmem:s4+$0xF248] =	vst v0  }
0x22c: {  	v0 =	vld [tilespmem:s0+$0xF258];
	_ =	sdelay $0x4  }
0x22d: {  	[tilespmem:s4+$0xF258] =	vst v0  }
0x22e: {  	v0 =	vld [tilespmem:s0+$0xF268];
	_ =	sdelay $0x4  }
0x22f: {  	[tilespmem:s4+$0xF268] =	vst v0  }
0x230: {  	v0 =	vld [tilespmem:s0+$0xF278];
	_ =	sdelay $0x4  }
0x231: {  	[tilespmem:s4+$0xF278] =	vst v0  }
0x232: {  	v0 =	vld [tilespmem:s0+$0xF288];
	_ =	sdelay $0x4  }
0x233: {  	[tilespmem:s4+$0xF288] =	vst v0  }
0x234: {  	v0 =	vld [tilespmem:s0+$0xF298];
	_ =	sdelay $0x4  }
0x235: {  	[tilespmem:s4+$0xF298] =	vst v0  }
0x236: {  	v0 =	vld [tilespmem:s0+$0xF2A8];
	_ =	sdelay $0x4  }
0x237: {  	s2 =	sadd.s32 $0x1, s2;
	[tilespmem:s4+$0xF2A8] =	vst v0  }
.LBB2_48:
0x238: {  	s3 =	sadd.s32 $0x1, s3  }
0x239: {  	p1 =	sne.s32 s3, $0x20  }
.Ltmp32:
0x23a: {  	_ = 	snop;
	(pc) =	sbr.rel @!p1 .LBB2_49-.Ltmp32, $1  }
0x23b: {  	_ =	sdelay $0x3  }
.LBB2_41:
0x23c: {  	v0 =	vld.msk [tilespmem:s3+$0xF218], $0x1;
	_ =	sdelay $0x4  }
0x23d: {  	(v2sf) =	vpush v0, $0x0;
	_ =	sdelay $0xe  }
0x23e: {  	s4 =	spop (v2sf)  }
0x23f: {  	p1 =	seq.s32 s4, $0xFFFFFFFF  }
.Ltmp33:
0x240: {  	_ = 	snop;
	(pc) =	sbr.rel @p1 .LBB2_48-.Ltmp33, $1  }
0x241: {  	_ =	sdelay $0x3  }
0x242: {  	p1 =	slt.s32 s2, $0x1  }
.Ltmp34:
0x243: {  	_ = 	snop;
	(pc) =	sbr.rel @p1 .LBB2_47-.Ltmp34, $1  }
0x244: {  	_ =	sdelay $0x3  }
0x245: {  	s5 =	simm.s32 $0xF218;
	p1 =	por $0x0, $0x0  }
0x246: {  	v1 =	vld.msk @!p1 [tilespmem:s5+$0x0], $0x1;
	_ =	sdelay $0x4  }
0x247: {  	(v2sf) =	vpush @!p1 v1, $0x0;
	_ =	sdelay $0xd  }
0x248: {  	p3 =	sne.s32 s2, $0x1  }
.Ltmp35:
0x249: {  	s0 =	spop @!p1 (v2sf);
	(pc) =	sbr.rel @!p3 .LBB2_45-.Ltmp35, $4  }
0x24a: {  	p2 =	seq.s32 @!p1 s4, s0  }
0x24b: {  	s6 =	simm.s32 $0x0;
	p2 =	por !p2, p1  }
0x24c: {  	s7 =	simm.s32 $0xFFFFFFFF;
	s6 =	simm.s32 @p2 $0xFFFFFFFF  }
0x24d: {  	s0 =	simm.s32 $0x1;
	s6 =	smov.u32 @p1 s7  }
.LBB2_44:
0x24e: {  	s7 =	smov.u32 s6;
	p1 =	sne.s32 s6, $0xFFFFFFFF  }
0x24f: {  	s5 =	sadd.s32 $0x1, s5;
	s6 =	smov.u32 s0;
	s0 =	sadd.s32 $0x1, s0  }
0x250: {  	p2 =	sne.s32 s2, s0;
	v1 =	vld.msk @!p1 [tilespmem:s5+$0x0], $0x1;
	_ =	sdelay $0x4  }
0x251: {  	(v2sf) =	vpush @!p1 v1, $0x0;
	_ =	sdelay $0xe  }
.Ltmp36:
0x252: {  	s8 =	spop @!p1 (v2sf);
	(pc) =	sbr.rel @p2 .LBB2_44-.Ltmp36, $4  }
0x253: {  	p3 =	seq.s32 @!p1 s4, s8  }
0x254: {  	p3 =	por !p3, p1  }
0x255: {  	s6 =	simm.s32 @p3 $0xFFFFFFFF  }
0x256: {  	s6 =	smov.u32 @p1 s7  }
.LBB2_45:
0x257: {  	p1 =	seq.s32 s6, $0xFFFFFFFF  }
.Ltmp37:
0x258: {  	_ = 	snop;
	(pc) =	sbr.rel @p1 .LBB2_47-.Ltmp37, $1  }
0x259: {  	_ =	sdelay $0x3  }
0x25a: {  	s0 =	sshll.u32 s3, $0x7  }
0x25b: {  	s0 =	sand.u32 $0x3FFFFF80, s0  }
0x25c: {  	v0 =	vld [tilespmem:s0+$0xF238];
	_ =	sdelay $0x2  }
0x25d: {  	s4 =	sshll.u32 s6, $0x9  }
0x25e: {  	s4 =	sshra.s32 s4, $0x2  }
0x25f: {  	[tilespmem:s4+$0xF238] =	vst.add.f32.msk $0xffff, v0  }
0x260: {  	v0 =	vld [tilespmem:s0+$0xF248];
	_ =	sdelay $0x4  }
0x261: {  	[tilespmem:s4+$0xF248] =	vst.add.f32.msk $0xffff, v0  }
0x262: {  	v0 =	vld [tilespmem:s0+$0xF258];
	_ =	sdelay $0x4  }
0x263: {  	[tilespmem:s4+$0xF258] =	vst.add.f32.msk $0xffff, v0  }
0x264: {  	v0 =	vld [tilespmem:s0+$0xF268];
	_ =	sdelay $0x4  }
0x265: {  	[tilespmem:s4+$0xF268] =	vst.add.f32.msk $0xffff, v0  }
0x266: {  	v0 =	vld [tilespmem:s0+$0xF278];
	_ =	sdelay $0x4  }
0x267: {  	[tilespmem:s4+$0xF278] =	vst.add.f32.msk $0xffff, v0  }
0x268: {  	v0 =	vld [tilespmem:s0+$0xF288];
	_ =	sdelay $0x4  }
0x269: {  	[tilespmem:s4+$0xF288] =	vst.add.f32.msk $0xffff, v0  }
0x26a: {  	v0 =	vld [tilespmem:s0+$0xF298];
	_ =	sdelay $0x4  }
0x26b: {  	[tilespmem:s4+$0xF298] =	vst.add.f32.msk $0xffff, v0  }
0x26c: {  	v0 =	vld [tilespmem:s0+$0xF2A8]  }
.Ltmp38:
0x26d: {  	_ = 	snop;
	(pc) =	sbr.rel .LBB2_48-.Ltmp38, $2  }
0x26e: {  	_ =	sdelay $0x2  }
0x26f: {  	[tilespmem:s4+$0xF2A8] =	vst.add.f32.msk $0xffff, v0  }
.LBB2_49:
0x270: {  	p1 =	slt.s32 s2, $0x1  }
.Ltmp39:
0x271: {  	_ = 	snop;
	(pc) =	sbr.rel @p1 .LBB2_53-.Ltmp39, $3  }
0x272: {  	_ =	sdelay $0x1  }
0x273: {  	s0 =	simm.s32 $0x8  }
0x274: {  	s3 =	simm.s32 $0x0;
	[sflag:s0] =	ssyncpa.u1 $0x1  }
0x275: {  	s0 =	simm.s32 $0xF218  }
0x276: {  	v0 =	vld.msk [tilespmem:s0+$0x0], $0x1;
	_ =	sdelay $0x4  }
0x277: {  	(v2sf) =	vpush v0, $0x0;
	_ =	sdelay $0xe  }
0x278: {  	s0 =	sadd.s32 $0xFFFFFFFF, s2;
	s5 =	spop (v2sf)  }
0x279: {  	p2 =	sne.s32 s0, $0x0;
	p1 =	sgt.u32 s5, $0x4E1F0  }
.Ltmp40:
0x27a: {  	s6 =	sand.u32 @!p1 $0x7FFF8, s5;
	(pc) =	sbr.rel @!p2 .LBB2_52-.Ltmp40, $4  }
0x27b: {  	s4 =	simm.s32 $0xF238;
	s5 =	sand.u32 @!p1 $0x7, s5;
	s2 =	sadd.s32 @!p1 s1, s6  }
0x27c: {  	[hbm4b:s2+s5] =	stream.linear.scatter @!p1 [tilespmem:s4], [sflag:$0x7], $0x80, $0x38;
	[tilespmem:$0x1F6F8] =	vst v63  }
0x27d: {  	s5 =	simm.s32 $0x0  }
0x27e: {  	s2 =	simm.s32 $0xF219;
	s5 =	simm.s32 @!p1 $0x200  }
.LBB2_51:
0x27f: {  	v0 =	vld.msk [tilespmem:s2+$0x0], $0x1;
	s0 =	sadd.s32 $0xFFFFFFFF, s0;
	s3 =	sadd.s32 s3, s5  }
0x280: {  	p1 =	sne.s32 s0, $0x0;
	_ =	sdelay $0x3  }
0x281: {  	(v2sf) =	vpush v0, $0x0;
	_ =	sdelay $0xe  }
.Ltmp41:
0x282: {  	s6 =	spop (v2sf);
	(pc) =	sbr.rel @p1 .LBB2_51-.Ltmp41, $4  }
0x283: {  	s5 =	simm.s32 $0x0;
	p2 =	sgt.u32 s6, $0x4E1F0  }
0x284: {  	s4 =	sadd.s32 $0x80, s4;
	s5 =	simm.s32 @!p2 $0x200;
	s7 =	sand.u32 @!p2 $0x7FFF8, s6  }
0x285: {  	s2 =	sadd.s32 $0x1, s2;
	s6 =	sand.u32 @!p2 $0x7, s6;
	s7 =	sadd.s32 @!p2 s1, s7  }
0x286: {  	[hbm4b:s7+s6] =	stream.linear.scatter @!p2 [tilespmem:s4], [sflag:$0x7], $0x80, $0x38;
	[tilespmem:$0x1F6F8] =	vst v63  }
.LBB2_52:
0x287: {  	s0 =	sadd.s32 s3, s5  }
0x288: {  	s3 =	sshrl.u32 s0, $0x2  }
.LBB2_53:
0x289: {  	s0 =	simm.s32 $0x7  }
0x28a: {  	_ =	swait.ge [sflag:s0], s3  }
0x28b: {  	s1 =	ssub.s32 $0x0, s3;
	[sflag:s0] =	ssyncset.done $0x0  }
0x28c: {  	[sflag:s0] =	ssyncadd.s32 s1  }
0x28d: {  	[sflag:s0] =	ssyncpa.u1 $0x1  }
.LBB2_54:
0x28e: {  	_ =	sfence;
	s0 =	simm.s32 $0x1  }
0x28f: {  	[sflag:s0] =	ssyncpa.u1 $0x1  }
0x290: {  	_ =	strace $0x9000004D  }
0x291: {  	[bflag:$0x2] =	sbarrier.arrive $0xFFFF  }
0x292: {  	s0 =	rddreg [dreg:$0x3]  }
0x293: {  	s0 =	sadd.s32 @!p0 $0x100000, s0  }
0x294: {  	[sflag:s0] =	ssyncadd.tile.s32 @!p0 $0x1;
	_ =	shalt  }
.Lfunc_end2:
_tile_overlayer_lowered:
.L_overlay_start_2:
0x295: {  	(tag) =	ssettag $0x2  }
0x296: {  	s0 =	rddreg [dreg:$0x0];
	s2 =	stileid.u32  }
0x297: {  	s1 =	rddreg [dreg:$0x1];
	p0 =	sne.s32 s2, $0x0  }
0x298: {  	s3 =	rddreg [dreg:$0x2];
	[bflag:$0x3] =	sbarrier.arrive $0xFFFF;
	s2 =	simm.s32 @!p0 $0x1C01  }
0x299: {  	[timem:s3], [sflag:s2] =	dma.local @!p0 [hbm:s0], s1  }
0x29a: {  	s0 =	simm.s32 @!p0 $0x1  }
0x29b: {  	_ =	swait.ge @!p0 [sflag:s0], s1  }
0x29c: {  	s1 =	ssub.s32 @!p0 $0x0, s1;
	[sflag:s0] =	ssyncset.done @!p0 $0x0  }
0x29d: {  	[sflag:s0] =	ssyncadd.s32 @!p0 s1  }
0x29e: {  	[bflag:$0x3] =	sbarrier.arrive $0xFFFF  }
0x29f: {  	_ =	shalt  }

// kernel: scatter_offload_async_start
scs
__scs_entry_jumppad:
0x0: {  	(pc) =	sbr.rel $0x88, $3  }
0x1: {  	(tag) =	ssettag $0x0;
	lr =	simm.s32 $0x1  }
0x2: {  	[smem:$0x3F96] =	sst lr;
	_ =	strace $0xD0000000  }
0x3: {  	_ = 	snop  }
0x4: {  	_ = 	snop  }
0x5: {  	_ = 	snop  }
0x6: {  	_ = 	snop  }
0x7: {  	_ = 	snop  }
__scs_overlays_trampoline_lowered:
0x8: {  	[smem:$0x3FA5] =	sst s0  }
0x9: {  	[smem:$0x3FA6] =	sst s1  }
0xa: {  	[smem:$0x3FA7] =	sst s2  }
0xb: {  	[smem:$0x3FA8] =	sst s3  }
0xc: {  	[smem:$0x3FA9] =	sst s4  }
0xd: {  	[smem:$0x3FAA] =	sst s5  }
0xe: {  	[smem:$0x3FAB] =	sst s6  }
0xf: {  	[smem:$0x3FAC] =	sst s7  }
0x10: {  	[smem:$0x3FAD] =	sst s8  }
0x11: {  	[smem:$0x3FAE] =	sst s9;
	s0 =	simm.s32 @!p0 $0x0  }
0x12: {  	s1 =	sld [smem:$0x3F94];
	s0 =	simm.s32 @p0 $0x1  }
0x13: {  	[smem:$0x3FAF] =	sst s0;
	s0 =	simm.s32 @!p1 $0x0  }
0x14: {  	s2 =	sld [smem:$0x3F93];
	s0 =	simm.s32 @p1 $0x1  }
0x15: {  	[smem:$0x3FB0] =	sst s0;
	s0 =	simm.s32 @!p2 $0x0  }
0x16: {  	s3 =	sld [smem:$0x3FDB];
	s0 =	simm.s32 @p2 $0x1  }
0x17: {  	s4 =	simm.s32 $0x1BF5;
	[smem:$0x3FB2] =	sst s0  }
0x18: {  	s0 =	sld [smem:$0x3F95];
	_ =	swait.ge [sflag:s4], $0x0  }
0x19: {  	s7 =	sld [smem:$0x3F96]  }
0x1a: {  	s8 =	sadd.s32 $0xFFFFE003, lr  }
0x1b: {  	s9 =	sadd.s32 $0xFFFFFEF7, lr;
	s5 =	simm.s32 $0xFFFFFFFF;
	p2 =	slt.u32 s8, $0xFFFFF086  }
0x1c: {  	p1 =	slt.u32 s9, $0xF7A;
	s5 =	simm.s32 @!p2 $0x0  }
0x1d: {  	s5 =	simm.s32 @p1 $0x1;
	p0 =	seq.s32 s7, s2  }
0x1e: {  	s7 =	smul.u32 @!p0 $0xF7A, s2;
	p2 =	seq.s32 @!p0 s5, $0x0  }
0x1f: {  	s9 =	smul.u32 $0xF7A, s1;
	s8 =	simm.s32 @!p0 $0x1BF5;
	p2 =	por !p2, p0  }
0x20: {  	[sflag:s8] =	ssyncset.s32 @!p0 $0xFFFFF086;
	s6 =	sadd.s32 @!p0 s3, s7;
	s7 =	simm.s32 @!p0 $0x108  }
0x21: {  	s3 =	sadd.s32 s3, s9;
	s6 =	sadd.s32 @!p0 $0x88, s6;
	s7 =	simm.s32 @p2 $0x1082  }
0x22: {  	[simem:s7], [sflag:s8] =	dma.local @!p0 [hbm:s6], $0xF7A  }
0x23: {  	s9 =	sor.u32 $0xD0000000, s2;
	s6 =	simm.s32 $0x108;
	_ =	swait.ge @!p0 [sflag:s8], $0x0  }
0x24: {  	s3 =	sadd.s32 $0x88, s3;
	s6 =	simm.s32 @!p1 $0x1082;
	[sflag:s4] =	ssyncset.s32 $0xFFFFF086  }
0x25: {  	[simem:s6], [sflag:s4] =	dma.local [hbm:s3], $0xF7A  }
0x26: {  	[smem:$0x3F96] =	sst s1;
	(tag) =	ssettag s2;
	_ =	strace s9  }
0x27: {  	s1 =	sld [smem:$0x3FA6]  }
0x28: {  	s2 =	sld [smem:$0x3FA7]  }
0x29: {  	s4 =	sld [smem:$0x3FA9]  }
0x2a: {  	p0 =	seq.s32 s5, $0x0;
	s5 =	sld [smem:$0x3FAA]  }
0x2b: {  	s6 =	sld [smem:$0x3FAB]  }
0x2c: {  	s7 =	sld [smem:$0x3FAC]  }
0x2d: {  	s3 =	simm.s32 $0x108;
	s8 =	sld [smem:$0x3FAD]  }
0x2e: {  	s3 =	simm.s32 @!p0 $0x1082;
	s9 =	sld [smem:$0x3FAE]  }
0x2f: {  	lr =	sadd.s32 s0, s3;
	s0 =	sld [smem:$0x3FA5]  }
0x30: {  	s3 =	sld [smem:$0x3FA8]  }
0x31: {  	[smem:$0x3FB1] =	sst s10  }
0x32: {  	s10 =	sld [smem:$0x3FAF];
	_ =	sdelay $0x3  }
0x33: {  	p0 =	seq.s32 s10, $0x1;
	s10 =	sld [smem:$0x3FB1];
	_ =	sdelay $0x3  }
0x34: {  	[smem:$0x3FB1] =	sst s10  }
0x35: {  	s10 =	sld [smem:$0x3FB0];
	_ =	sdelay $0x3  }
0x36: {  	p1 =	seq.s32 s10, $0x1;
	s10 =	sld [smem:$0x3FB1];
	_ =	sdelay $0x3  }
0x37: {  	[smem:$0x3FB1] =	sst s10  }
0x38: {  	s10 =	sld [smem:$0x3FB2]  }
0x39: {  	_ = 	snop;
	(pc) =	sbr.ind lr, $3  }
0x3a: {  	_ = 	snop  }
0x3b: {  	_ = 	snop  }
0x3c: {  	p2 =	seq.s32 s10, $0x1;
	s10 =	sld [smem:$0x3FB1]  }
0x3d: {  	_ =	shalt  }
0x3e: {  	_ =	shalt  }
0x3f: {  	_ =	shalt  }
0x40: {  	_ =	shalt  }
0x41: {  	_ =	shalt  }
0x42: {  	_ =	shalt  }
0x43: {  	_ =	shalt  }
0x44: {  	_ =	shalt  }
0x45: {  	_ =	shalt  }
0x46: {  	_ =	shalt  }
0x47: {  	_ =	shalt  }
0x48: {  	_ =	shalt  }
0x49: {  	_ =	shalt  }
0x4a: {  	_ =	shalt  }
0x4b: {  	_ =	shalt  }
0x4c: {  	_ =	shalt  }
0x4d: {  	_ =	shalt  }
0x4e: {  	_ =	shalt  }
0x4f: {  	_ =	shalt  }
0x50: {  	_ =	shalt  }
0x51: {  	_ =	shalt  }
0x52: {  	_ =	shalt  }
0x53: {  	_ =	shalt  }
0x54: {  	_ =	shalt  }
0x55: {  	_ =	shalt  }
0x56: {  	_ =	shalt  }
0x57: {  	_ =	shalt  }
0x58: {  	_ =	shalt  }
0x59: {  	_ =	shalt  }
0x5a: {  	_ =	shalt  }
0x5b: {  	_ =	shalt  }
0x5c: {  	_ =	shalt  }
0x5d: {  	_ =	shalt  }
0x5e: {  	_ =	shalt  }
0x5f: {  	_ =	shalt  }
0x60: {  	_ =	shalt  }
0x61: {  	_ =	shalt  }
0x62: {  	_ =	shalt  }
0x63: {  	_ =	shalt  }
0x64: {  	_ =	shalt  }
0x65: {  	_ =	shalt  }
0x66: {  	_ =	shalt  }
0x67: {  	_ =	shalt  }
0x68: {  	_ =	shalt  }
0x69: {  	_ =	shalt  }
0x6a: {  	_ =	shalt  }
0x6b: {  	_ =	shalt  }
0x6c: {  	_ =	shalt  }
0x6d: {  	_ =	shalt  }
0x6e: {  	_ =	shalt  }
0x6f: {  	_ =	shalt  }
0x70: {  	_ =	shalt  }
0x71: {  	_ =	shalt  }
0x72: {  	_ =	shalt  }
0x73: {  	_ =	shalt  }
0x74: {  	_ =	shalt  }
0x75: {  	_ =	shalt  }
0x76: {  	_ =	shalt  }
0x77: {  	_ =	shalt  }
0x78: {  	_ =	shalt  }
0x79: {  	_ =	shalt  }
0x7a: {  	_ =	shalt  }
0x7b: {  	_ =	shalt  }
0x7c: {  	_ =	shalt  }
0x7d: {  	_ =	shalt  }
0x7e: {  	_ =	shalt  }
0x7f: {  	_ =	shalt  }
0x80: {  	_ =	shalt  }
0x81: {  	_ =	shalt  }
0x82: {  	_ =	shalt  }
0x83: {  	_ =	shalt  }
0x84: {  	_ =	shalt  }
0x85: {  	_ =	shalt  }
0x86: {  	_ =	shalt  }
0x87: {  	_ =	shalt  }
.Lfunc_end0:
.L_simem_size_0:
called_computation_lowered:
.L_overlay_start_0:
0x88: {  	s0 =	sld [smem:$0x3FD9]  }
0x89: {  	s1 =	sld [smem:$0x3FFE];
	_ =	sdelay $0x3  }
0x8a: {  	s0 =	sadd.s32 s1, s0  }
0x8b: {  	[smem:$0x3FBD] =	sst s0  }
0x8c: {  	_ = 	snop  }
0x8d: {  	(tm) =	ssettm $0x1  }
0x8e: {  	s15 =	sld [smem:$0x3FFB];
	_ =	sdelay $0x3  }
0x8f: {  	_ =	strace s15  }
0x90: {  	s0 =	sld [smem:$0x3FFC];
	_ =	sdelay $0x3  }
0x91: {  	_ =	strace s0  }
0x92: {  	s0 =	sld [smem:$0x3FFD];
	_ =	sdelay $0x3  }
0x93: {  	_ =	strace s0  }
0x94: {  	_ =	strace $0x8FFFFFFF  }
0x95: {  	s16 =	sld [smem:$0x3FDB];
	_ =	sdelay $0x1  }
0x96: {  	s17 =	simm.s32 $_scs_section_size  }
0x97: {  	s2 =	simm.s32 $_size__tile_overlayer_lowered;
	s3 =	simm.s32 $_tile_overlayer_lowered  }
0x98: {  	s20 =	simm.s32 $0x1BFF;
	s19 =	sshll.u32 s3, $0x1;
	s0 =	sadd.s32 s17, s16  }
0x99: {  	s4 =	simm.s32 $0x0;
	s18 =	sshll.u32 s2, $0x1;
	s2 =	sadd.s32 s19, s0  }
0x9a: {  	[timem:s4], [sflag:s20] =	dma.local [hbm:s2], s18  }
0x9b: {  	_ =	swait.ge [sflag:s20], s18  }
0x9c: {  	s1 =	ssub.s32 $0x0, s18;
	[sflag:s20] =	ssyncset.done $0x0  }
0x9d: {  	[sflag:s20] =	ssyncadd.s32 s1;
	_ =	sdelay $0x1  }
0x9e: {  	s21 =	simm.s32 $0x1B8B  }
0x9f: {  	_ =	swait.ge [sflag:s21], $0x1  }
0xa0: {  	[sflag:s21] =	ssyncset.done $0x0  }
0xa1: {  	s23 =	simm.s32 $0x1B8E;
	s22 =	sld [smem:$0x3FFE];
	[sflag:s21] =	ssyncadd.s32 $0xFFFFFFFF  }
0xa2: {  	s24 =	simm.s32 $execute0_lowered;
	[smem:$0x3FD2] =	sst s23  }
0xa3: {  	s2 =	sshll.u32 s24, $0x1;
	_ =	strace $0x80000046;
	[dreg:$0x1] =	wrdreg $0xFFFFFFFF  }
0xa4: {  	s25 =	simm.s32 $_size_execute0_lowered;
	s0 =	sadd.s32 s0, s2;
	[dreg:$0x0] =	wrdreg $0x0  }
0xa5: {  	s2 =	sshll.u32 s25, $0x1;
	[dreg:$0x2] =	wrdreg s0  }
0xa6: {  	[dreg:$0x3] =	wrdreg s2  }
0xa7: {  	[dreg:$0x4] =	wrdreg $0xC0  }
0xa8: {  	_ =	task [dreg:s4], $0x5FFFF  }
0xa9: {  	[dreg:$0x1] =	wrdreg $0xFFFFFFFF  }
0xaa: {  	[dreg:$0x0] =	wrdreg $0x60  }
0xab: {  	[dreg:$0x2] =	wrdreg s22  }
0xac: {  	[dreg:$0x3] =	wrdreg $0x9  }
0xad: {  	_ =	task.clear_ibuf [dreg:s4], $0x4FFFF;
	_ =	strace $0x90000046  }
0xae: {  	s26 =	simm.s32 $0x9;
	_ =	strace $0x80000048  }
0xaf: {  	_ =	swait.ge [sflag:s26], $0x1  }
0xb0: {  	[sflag:s26] =	ssyncadd.s32 $0xFFFFFFFF  }
0xb1: {  	_ =	strace $0x90000048  }
0xb2: {  	_ =	sfence  }
0xb3: {  	s28 =	sld [smem:$0x0];
	_ =	sdelay $0x1  }
0xb4: {  	s29 =	srdreg.scid  }
0xb5: {  	s30 =	sshll.u32 s29, $0xD;
	s31 =	sshrl.u32 s29, $0x2  }
0xb6: {  	s1 =	sand.u32 $0x1, s29;
	s2 =	sand.u32 $0x4000, s30;
	s0 =	sadd.s32 s31, s28  }
0xb7: {  	s1 =	sor.u32 s2, s1;
	s0 =	sshll.u32 s0, $0x11  }
0xb8: {  	s0 =	sor.u32 s0, s1  }
0xb9: {  	s0 =	sadd.s32 $0x8F2B, s0  }
0xba: {  	[sflag:s0] =	ssyncadd.remote.s32 $0x1  }
0xbb: {  	_ =	sfence.sel $0xFFFF  }
0xbc: {  	[dreg:$0x0] =	wrdreg $0xFFFFFFFF;
	(pc) =	sbr.abs _section_cstart, $3  }
0xbd: {  	[dreg:$0x1] =	wrdreg $0xFFFFFFFF  }
0xbe: {  	_ =	task.clear_ibuf [dreg:s4], $0x2FFFF;
	_ =	strace $0x9FFFFFFF  }
0xbf: {  	(tm) =	ssettm $0x7FFFFFFF  }
tec
execute0_lowered:
.L_overlay_start_1:
0x0: {  	(tag) =	ssettag $0x1  }
0x1: {  	s0 =	rddreg [dreg:$0x0];
	_ =	strace $0x80000047;
	s15 =	stileid.u32  }
0x2: {  	s2 =	simm.s32 $0x1;
	s1 =	smin.u32 s15, $0x8;
	s3 =	sshll.u32 s15, $0x1  }
0x3: {  	[sflag:s2] =	ssyncpa.u1 $0x0;
	s1 =	sadd.s32 s1, s3  }
0x4: {  	v1 =	vimm.s32 $0xFFFFFFFF;
	p0 =	slt.u32 s15, $0x8;
	s4 =	smul.u32 $0x1F40, s1;
	s1 =	simm.s32 $0x5DC0  }
0x5: {  	[tilespmem:$0x10] =	vst v1;
	s1 =	simm.s32 @!p0 $0x3E80  }
0x6: {  	v0 =	vimm.f32 $-Inf;
	[tilespmem:$0x20] =	vst v1;
	s1 =	sadd.s32 s1, s4  }
0x7: {  	[tilespmem:$0x30] =	vst v0;
	s5 =	smin.u32 s1, $0x4E200  }
0x8: {  	s7 =	simm.s32 $0x2;
	[tilespmem:$0x40] =	vst v0;
	s9 =	ssub.s32 s5, s4  }
0x9: {  	s8 =	simm.s32 $0x8;
	s30 =	simm.s32 $0x9;
	[tilespmem:$0x50] =	vst v0;
	p0 =	sgt.s32 s9, $0x0  }
0xa: {  	s16 =	simm.s32 $0x0;
	s17 =	simm.s32 $0xF0;
	[tilespmem:$0x60] =	vst v1;
	s9 =	simm.s32 @!p0 $0x0  }
0xb: {  	s18 =	simm.s32 $0xFFFFFFFF;
	s19 =	simm.s32 $0xFFFFC280;
	[tilespmem:$0x70] =	vst v1;
	s29 =	smulhi.u32 $0x10624DD3, s9  }
0xc: {  	s20 =	simm.s32 $0xFFFFFFFE;
	s21 =	simm.s32 $0xF;
	s25 =	simm.s32 $0x0;
	[tilespmem:$0x80] =	vst v1  }
0xd: {  	s24 =	simm.s32 $0x0;
	s6 =	sadd.s32 $0x4E600, s0;
	v1 =	vimm.s32 $0x0;
	[tilespmem:$0xB0] =	vst v0;
	s10 =	sshrl.u32 s29, $0x9  }
0xe: {  	s15 =	sshllo.u32 s15, $0x1;
	s13 =	sor.u32 $0x80, s3;
	[tilespmem:$0x90] =	vst v1;
	s11 =	smul.u32 $0x1F40, s10  }
0xf: {  	s14 =	sor.u32 $0x81, s3;
	[tilespmem:$0xA0] =	vst v1;
	[sflag:s7] =	ssyncpa.u1 $0x0;
	s7 =	simm.s32 $0x7  }
.Ltmp0:
0x10: {  	[sflag:s7] =	ssyncpa.u1 $0x0;
	p0 =	sne.s32 s9, s11;
	(pc) =	sbr.rel .LBB2_1-.Ltmp0, $4  }
0x11: {  	[sflag:s8] =	ssyncpa.u1 $0x0;
	s23 =	smov.u32 s4;
	s2 =	simm.s32 @!p0 $0x0  }
0x12: {  	s1 =	sadd.s32 $0x75E00, s0;
	s0 =	sadd.s32 $0x58400, s0;
	s10 =	sadd.s32 s2, s10  }
0x13: {  	vm0 =	vmmov $0xffff;
	v2 =	vlaneseq.u32;
	vm1 =	vmxor vm1, vm1;
	[sflag:s30] =	ssyncpa.u1 $0x0;
	[dreg:$0x2] =	wrdreg s0;
	s31 =	sadd.s32 $0x1, s10  }
0x14: {  	vm2 =	vmmov $0x1;
	v3 =	vimm.f32 $0.0e+00;
	vm3 =	vcmask $0x3F3C;
	p0 =	por $0x0, $0x0;
	s12 =	sadd.s32 $0x2, s10;
	[dreg:$0x3] =	wrdreg s31  }
.LBB2_9:
0x15: {  	p1 =	slt.u32 s24, $0x3  }
0x16: {  	s0 =	simm.s32 @!p1 $0x2  }
0x17: {  	_ =	swait.ge @!p1 [sflag:s0], $0x1F40  }
0x18: {  	[sflag:s0] =	ssyncset.done @!p1 $0x0  }
0x19: {  	[sflag:s0] =	ssyncadd.s32 @!p1 $0xFFFFE0C0;
	s0 =	simm.s32 @!p1 $0x9  }
0x1a: {  	_ =	swait.ge @!p1 [sflag:s0], $0x10  }
0x1b: {  	[sflag:s0] =	ssyncset.done @!p1 $0x0  }
0x1c: {  	[sflag:s0] =	ssyncadd.s32 @!p1 $0xFFFFFFF0;
	p1 =	sne.s32 s24, s12  }
.Ltmp1:
0x1d: {  	s2 =	sadd.s32 $0x1F40, s23;
	(pc) =	sbr.rel @!p1 .LBB2_10-.Ltmp1, $4  }
0x1e: {  	s9 =	smov.u32 s4;
	s31 =	sadd.s32 $0x1, s24;
	s17 =	sadd.s32 $0x1F40, s17  }
0x1f: {  	s18 =	sadd.s32 $0x1, s18;
	s25 =	smov.u32 s23;
	p2 =	slt.s32 s2, s5  }
0x20: {  	p0 =	por !p0, !p0;
	s19 =	sadd.s32 $0x1F40, s19;
	s9 =	smov.u32 @p2 s2  }
0x21: {  	s20 =	sadd.s32 $0x1, s20;
	s23 =	smov.u32 s9;
	s24 =	smov.u32 s31  }
.LBB2_1:
0x22: {  	p1 =	sge.u32 s24, s10  }
0x23: {  	s0 =	smulhi.u32 @!p1 $0xAAAAAAAB, s24;
	_ =	sdelay $0x1  }
0x24: {  	s0 =	sshrl.u32 @!p1 s0, $0x1  }
0x25: {  	s0 =	smul.u32 @!p1 $0x3, s0;
	_ =	sdelay $0x1  }
0x26: {  	s0 =	ssub.s32 @!p1 s24, s0  }
0x27: {  	s0 =	smul.u32 @!p1 $0x7D00, s0;
	_ =	sdelay $0x1  }
0x28: {  	s2 =	sshrl.u32 @!p1 s23, $0x3;
	s0 =	sshrl.u32 @!p1 s0, $0x2  }
0x29: {  	s9 =	sand.u32 @!p1 $0x7, s23;
	s2 =	sadd.s32 @!p1 s6, s2;
	s0 =	sadd.s32 @!p1 $0x100, s0  }
0x2a: {  	[tilespmem:s0], [sflag:$0x7] =	stream.linear.gather @!p1 [hbm4b:s2+s9], $0x1F40, $0x38;
	[tilespmem:$0x11A60] =	vst v63  }
0x2b: {  	s0 =	sadd.s32 $0xFFFFFFFF, s24  }
0x2c: {  	p1 =	sge.u32 s0, s10  }
.Ltmp2:
0x2d: {  	_ = 	snop;
	(pc) =	sbr.rel @p1 .LBB2_5-.Ltmp2, $1  }
0x2e: {  	_ =	sdelay $0x3  }
0x2f: {  	s2 =	smulhi.u32 $0xAAAAAAAB, s0;
	_ =	sdelay $0x1  }
0x30: {  	s2 =	sshrl.u32 s2, $0x1  }
0x31: {  	s2 =	smul.u32 $0x3, s2;
	_ =	sdelay $0x1  }
0x32: {  	s2 =	ssub.s32 s0, s2  }
0x33: {  	s2 =	smul.u32 $0x7D00, s2  }
0x34: {  	_ =	swait.ge [sflag:s7], $0x1F40  }
0x35: {  	[sflag:s7] =	ssyncset.done $0x0;
	s2 =	sshrl.u32 s2, $0x2  }
0x36: {  	[sflag:s7] =	ssyncadd.s32 $0xFFFFE0C0;
	(ifvalue) =	ssetifvalue $0xFFFFFFFF;
	v4 =	vld.msk [tilespmem:s2+$0x100 ss:$0x1], $0xffff;
	_ =	sdelay $0x2  }
0x37: {  	s29 =	smulhi.u32 $0xAAAAAAAB, s18;
	p1 =	sne.s32 s24, $0x1  }
0x38: {  	v5 =	vimm.s32 @!p1 $0x0  }
0x39: {  	s2 =	sshrl.u32 s29, $0x1;
	v5 =	vperm.xlane @!p1 v4, v5  }
0x3a: {  	s9 =	sshll.u32 s24, $0x4;
	s2 =	smul.u32 $0xFFFE8900, s2;
	vm4 =	vlt.u32 v4, $0x5000  }
0x3b: {  	s9 =	sand.u32 $0x10, s9;
	v4 =	vnsel vm4, $0xFFFFFFFE, v4;
	vm4 =	vlt.u32 @!p1 v5, $0x5000  }
0x3c: {  	s2 =	sshra.s32 s2, $0x2;
	[tilespmem:s9+$0x60] =	vst v4;
	v4 =	vnsel @!p1 vm4, $0xFFFFFFFE, v5  }
0x3d: {  	s30 =	sadd.s32 s2, s17;
	[tilespmem:$0x80] =	vst @!p1 v4  }
0x3e: {  	v4 =	vld.msk [tilespmem:s30+$0x0 ss:$0x1], $0xffff;
	_ =	sdelay $0x4  }
0x3f: {  	(xrf1) =	vunique.msk.u32 $0xffff, v4;
	_ =	sdelay $0xd  }
0x40: {  	v5 =	vimm.s32 $0xFFFFFFFF;
	v6, _, _ =	vpop (xrf1)  }
0x41: {  	vm5 =	vne.s32 v4, v5;
	vm4 =	veq.s32 v6, v2  }
0x42: {  	vm6 =	vlt.u32 v4, $0x5000;
	vm4 =	vmand vm5, vm4  }
0x43: {  	vm4 =	vmand vm6, vm4  }
0x44: {  	v5 =	vnsel vm4, $0xFFFFFFFF, v4  }
0x45: {  	s31 =	sand.u32 $0x1, s0  }
0x46: {  	s26 =	simm.s32 $0x1F40;
	p1 =	seq.s32 s31, $0x1  }
0x47: {  	s26 =	simm.s32 @!p1 $0x0  }
0x48: {  	s28 =	sadd.s32 $0x7DF0, s26;
	(ifvalue) =	ssetifvalue $0xFFFFFFFF  }
0x49: {  	v4 =	vperm.xlane v4, v1;
	[tilespmem:s28], [sflag:$0x8] =	stream.indirect_vreg.gather [hbm4b:s1+s16], $0x1, v5, vm0, $0x4038;
	v5 =	vnsel vm6, $0xFFFFFFFE, v5;
	[tilespmem:$0x11A60] =	vst v63  }
0x4a: {  	s0 =	simm.s32 $0x0;
	s2 =	sadd.s32 $0xFFFFFFF0, s30;
	[tilespmem:s30+$0x0] =	vst v5  }
.LBB2_3:
0x4b: {  	v5 =	vld.msk [tilespmem:s2+$0x0 ss:$0x1], $0xffff;
	s0 =	sadd.s32 $0x10, s0;
	v6 =	vmov v4;
	s9 =	smov.u32 s2  }
0x4c: {  	p1 =	slt.u32 s0, $0x1F30;
	_ =	sdelay $0x4  }
0x4d: {  	v4 =	vperm.xlane v5, v1;
	(xrf1) =	vunique.msk.u32 $0xffff, v5;
	_ =	sdelay $0xd  }
0x4e: {  	v7, _, _ =	vpop (xrf1)  }
0x4f: {  	vm5 =	vne.s32 v5, v6;
	vm4 =	veq.s32 v7, v2  }
0x50: {  	vm6 =	vlt.u32 v5, $0x5000;
	vm4 =	vmand vm5, vm4  }
0x51: {  	vm4 =	vmand vm6, vm4  }
0x52: {  	v5 =	vnsel vm4, $0xFFFFFFFF, v5  }
.Ltmp3:
0x53: {  	v6 =	vnsel vm6, $0xFFFFFFFE, v5;
	(pc) =	sbr.rel @p1 .LBB2_3-.Ltmp3, $3  }
0x54: {  	_ =	sdelay $0x1  }
0x55: {  	s2 =	sadd.s32 $0xFFFFFFF0, s2;
	s28 =	sadd.s32 $0xFFFFFFF0, s28;
	(ifvalue) =	ssetifvalue $0xFFFFFFFF  }
0x56: {  	[tilespmem:s28], [sflag:$0x8] =	stream.indirect_vreg.gather [hbm4b:s1+s16], $0x1, v5, vm0, $0x4038;
	[tilespmem:s9+$0x0] =	vst v6  }
0x57: {  	s0 =	sshrl.u32 s25, $0x3;
	s2 =	rddreg [dreg:$0x2]  }
0x58: {  	s31 =	sadd.s32 $0x9D40, s26;
	s0 =	sadd.s32 s2, s0  }
0x59: {  	[tilespmem:s31], [sflag:$0x8] =	stream.linear.gather [hbm:s0], $0x1F40, $0x38;
	[tilespmem:$0x11A60] =	vst v63  }
.LBB2_5:
0x5a: {  	p1 =	slt.u32 s24, $0x2  }
0x5b: {  	p2 =	sge.u32 @!p1 s24, s12  }
0x5c: {  	p1 =	por p1, p2  }
.Ltmp4:
0x5d: {  	_ = 	snop;
	(pc) =	sbr.rel @p1 .LBB2_9-.Ltmp4, $1  }
0x5e: {  	_ =	sdelay $0x3  }
0x5f: {  	s0 =	sadd.s32 $0xFFFFFFFE, s24  }
0x60: {  	s2 =	smulhi.u32 $0xAAAAAAAB, s0;
	_ =	sdelay $0x1  }
0x61: {  	s2 =	sshrl.u32 s2, $0x1  }
0x62: {  	s2 =	smul.u32 $0x3, s2;
	_ =	sdelay $0x1  }
0x63: {  	_ =	swait.ge [sflag:s8], $0x3E80;
	s0 =	ssub.s32 s0, s2  }
0x64: {  	s9 =	rddreg [dreg:$0x3];
	s0 =	smul.u32 $0x1F40, s0  }
0x65: {  	[sflag:s8] =	ssyncset.done $0x0;
	p1 =	sne.s32 s24, s9  }
0x66: {  	[sflag:s8] =	ssyncadd.s32 $0xFFFFC180;
	s2 =	sadd.s32 @!p1 $0x203F, s0  }
0x67: {  	[spmem:s14] =	stream.linear.scatter @!p1 [tilespmem:s2], [sflag:$0x1], $0x1, $0x38;
	[tilespmem:$0x11A60] =	vst v63  }
0x68: {  	s2 =	simm.s32 @!p1 $0x1  }
0x69: {  	_ =	swait.ge @!p1 [sflag:s2], $0x1  }
0x6a: {  	s9 =	sshll.u32 s24, $0x4;
	[sflag:s2] =	ssyncset.done @!p1 $0x0  }
0x6b: {  	s25 =	sand.u32 $0x10, s9;
	[sflag:s2] =	ssyncadd.s32 @!p1 $0xFFFFFFFF  }
0x6c: {  	s2 =	sxor.u32 $0x10, s25;
	v5 =	vld [tilespmem:s25+$0x10]  }
0x6d: {  	v6 =	vld [tilespmem:s2+$0x60]  }
0x6e: {  	v4 =	vld [tilespmem:$0x80];
	_ =	sdelay $0x2  }
0x6f: {  	(v2sf) =	vpush v5, $0x0  }
0x70: {  	(v2sf) =	vpush v6, $0x0  }
0x71: {  	(v2sf) =	vpush v4, $0x0;
	_ =	sdelay $0xc  }
0x72: {  	s11 =	spop (v2sf)  }
0x73: {  	s22 =	spop (v2sf)  }
0x74: {  	s28 =	spop (v2sf)  }
0x75: {  	p2 =	seq.s32 s11, s22;
	p3 =	seq.s32 s28, s11  }
0x76: {  	p3 =	por p2, p3  }
0x77: {  	s26 =	sand.u32 $0x1, s24;
	v5 =	vpsel p3, $0xFFFFFFFF, v5  }
0x78: {  	s29 =	smul.u32 $0x1F40, s26;
	[tilespmem:s25+$0x10] =	vst.msk $0x1, v5  }
0x79: {  	v5 =	vld [tilespmem:$0x30]  }
0x7a: {  	v6 =	vld [tilespmem:s29+$0x9D40]  }
0x7b: {  	v7 =	vld [tilespmem:s25+$0x40];
	_ =	sdelay $0x2  }
0x7c: {  	vm4 =	vmmov vm1  }
0x7d: {  	vm5 =	vmmov vm2;
	s9 =	sshll.u32 s26, $0x4;
	vm4 =	vmmov @p2 vm2;
	v6 =	vmax.f32 v5, v6  }
0x7e: {  	s26 =	sor.u32 $0x11A40, s9;
	vm5 =	vmmov @p3 vm1;
	v5 =	vmax.f32 v5, v7;
	[tilespmem:s29+$0x9D40] =	vst.msk vm4, v6  }
0x7f: {  	[tilespmem:s26+$0x0] =	vst.msk vm5, v5  }
0x80: {  	v5 =	vld [tilespmem:s29+$0x7DF0];
	_ =	sdelay $0x4  }
0x81: {  	v5 =	vshift.insert v5, v3, s21  }
0x82: {  	s11 =	sor.u32 $0x40, s2  }
0x83: {  	v6 =	vimm.f32 $-Inf;
	[tilespmem:s11+$0x0] =	vst.msk $0x1, v5  }
0x84: {  	[tilespmem:s29+$0x7DFF] =	vst.msk $0x1, v6  }
0x85: {  	v5 =	vld [tilespmem:s0+$0x2030]  }
0x86: {  	s22 =	smulhi.u32 $0xAAAAAAAB, s20;
	_ =	sdelay $0x1  }
0x87: {  	s9 =	simm.s32 $0x1;
	s0 =	sshrl.u32 s22, $0x1  }
0x88: {  	s9 =	simm.s32 @!p0 $0x0;
	s0 =	smul.u32 $0xFFFE8900, s0  }
0x89: {  	s9 =	smul.u32 $0x7D00, s9;
	v5 =	vshift.insert v5, v1, s21  }
0x8a: {  	s0 =	sshra.s32 s0, $0x2  }
0x8b: {  	s9 =	sshrl.u32 s9, $0x2;
	s22 =	sadd.s32 s0, s19;
	[tilespmem:s2+$0x10] =	vst.msk $0x1, v5  }
0x8c: {  	s2 =	sadd.s32 $0x9D40, s9;
	v7 =	vld [tilespmem:s22+$0x0]  }
0x8d: {  	v8 =	vld [tilespmem:s2+$0x0];
	_ =	sdelay $0x4  }
0x8e: {  	vm4 =	vne.s32 v7, $0xFFFFFFFF;
	v6 =	vmax.f32 v8, v6  }
0x8f: {  	(xrf0) =	vmax.seg.scan.f32 vm4, v6  }
0x90: {  	s11 =	sadd.s32 $0x5EC0, s9;
	v8 =	vld [tilespmem:$0xA0]  }
0x91: {  	v9 =	vld [tilespmem:s11+$0x0];
	_ =	sdelay $0x1  }
0x92: {  	v6 =	vperm.xlane v5, v1;
	_ =	sdelay $0x1  }
0x93: {  	vm6 =	veq.s32 v7, v4;
	vm7 =	veq.s32 v7, v6;
	vm5 =	veq.s32 v8, $0x1;
	v8, _, _ =	vpop (xrf0)  }
0x94: {  	vm8 =	vgt.u32 v7, $0xFFFFFFFD;
	vm7 =	vmor vm7, vm6;
	v9 =	vmax.f32 v8, v9  }
0x95: {  	s30 =	sadd.s32 $0xDBC0, s9;
	v10 =	vld [tilespmem:$0x90];
	vm7 =	vmor vm7, vm8;
	v9 =	vsel vm6, v8, v9  }
0x96: {  	[tilespmem:s30+$0x0] =	vst v9;
	v9 =	vsel vm7, $0xFFFFFFFF, v7;
	_ =	sdelay $0x1  }
0x97: {  	vm9 =	vmand vm4, vm3  }
0x98: {  	s31 =	simm.s32 $0x0;
	s9 =	sadd.s32 $0x10, s11;
	s0 =	sadd.s32 $0x10, s2;
	v11 =	vsel vm9, $0xFF800000, v8  }
0x99: {  	s2 =	sadd.s32 $0x10, s22;
	s22 =	sadd.s32 $0x10, s30;
	vm4 =	vmor vm5, vm6;
	v7 =	vsel vm6, v8, v10;
	v8 =	vshift.insert v11, v0, s21;
	(ifvalue) =	ssetifvalue $0xFFFFFFFF  }
.LBB2_7:
0x9a: {  	[hbm4b:s1+s16] =	stream.indirect_vreg.scatter [tilespmem:s30], [sflag:$0x2], $0x1, v9, vm0, $0x4038;
	[tilespmem:$0x11A60] =	vst v63  }
0x9b: {  	s31 =	sadd.s32 $0x10, s31;
	s30 =	smov.u32 s22;
	v9 =	vld [tilespmem:s2+$0x0]  }
0x9c: {  	p2 =	slt.u32 s31, $0x1F30;
	v10 =	vld [tilespmem:s0+$0x0];
	_ =	sdelay $0x4  }
0x9d: {  	vm5 =	vne.s32 v9, $0xFFFFFFFF;
	v8 =	vmax.f32 v10, v8  }
0x9e: {  	(xrf0) =	vmax.seg.scan.f32 vm5, v8;
	_ =	sdelay $0x1  }
0x9f: {  	v8 =	vld [tilespmem:s9+$0x0]  }
0xa0: {  	vm6 =	veq.s32 v9, v4;
	vm7 =	veq.s32 v9, v6  }
0xa1: {  	vm8 =	vgt.u32 v9, $0xFFFFFFFD;
	vm4 =	vmor vm4, vm6;
	vm7 =	vmor vm7, vm6  }
0xa2: {  	vm7 =	vmor vm7, vm8  }
.Ltmp5:
0xa3: {  	vm5 =	vmand vm5, vm3;
	v9 =	vsel vm7, $0xFFFFFFFF, v9;
	v10, _, _ =	vpop (xrf0);
	(pc) =	sbr.rel @p2 .LBB2_7-.Ltmp5, $4  }
0xa4: {  	v7 =	vsel vm6, v10, v7;
	v8 =	vmax.f32 v10, v8;
	v11 =	vsel vm5, $0xFF800000, v10  }
0xa5: {  	v10 =	vsel vm6, v10, v8;
	v8 =	vshift.insert v11, v0, s21  }
0xa6: {  	s2 =	sadd.s32 $0x10, s2;
	s0 =	sadd.s32 $0x10, s0;
	[tilespmem:s22+$0x0] =	vst v10  }
0xa7: {  	s9 =	sadd.s32 $0x10, s9;
	s22 =	sadd.s32 $0x10, s22;
	(ifvalue) =	ssetifvalue $0xFFFFFFFF  }
0xa8: {  	_ =	sdelay $0x3  }
0xa9: {  	[hbm4b:s1+s16] =	stream.indirect_vreg.scatter [tilespmem:s30], [sflag:$0x2], $0x1, v9, vm0, $0x4038;
	[tilespmem:$0x11A60] =	vst v63  }
0xaa: {  	v4 =	vld [tilespmem:s29+$0xFAF0];
	_ =	sdelay $0x4  }
0xab: {  	v4 =	vshift.insert v4, v3, s21  }
0xac: {  	s0 =	simm.s32 $0x30  }
0xad: {  	[tilespmem:s0+$0x0] =	vst.msk $0x1, v4  }
0xae: {  	v4 =	vsel vm4, $0x1, v1;
	[tilespmem:$0x90] =	vst v7  }
0xaf: {  	s0 =	sadd.s32 @!p1 $0xFAFF, s29;
	[tilespmem:$0xA0] =	vst v4  }
0xb0: {  	[spmem:s15] =	stream.linear.scatter @!p1 [tilespmem:s0], [sflag:$0x1], $0x1, $0x38;
	[tilespmem:$0x11A60] =	vst v63  }
0xb1: {  	s0 =	simm.s32 @!p1 $0x1  }
0xb2: {  	v4 =	vmctz.xlane @!p1 vm4;
	_ =	swait.ge @!p1 [sflag:s0], $0x1  }
0xb3: {  	(v2sf) =	vpush @!p1 v5, $0x0  }
0xb4: {  	(v2sf) =	vpush @!p1 v4, $0x0;
	_ =	sdelay $0xd  }
0xb5: {  	s2 =	spop @!p1 (v2sf)  }
0xb6: {  	s9 =	spop @!p1 (v2sf)  }
0xb7: {  	p2 =	sne.s32 @!p1 s28, s2;
	p3 =	slt.s32 @!p1 s9, $0xF  }
0xb8: {  	[sflag:s0] =	ssyncset.done @!p1 $0x0;
	p2 =	por p2, p1;
	p3 =	por !p3, p1  }
0xb9: {  	[sflag:s0] =	ssyncadd.s32 @!p1 $0xFFFFFFFF;
	v4 =	vimm.s32 @!p2 $0xFFFFFFFF;
	s9 =	simm.s32 @p3 $0xF  }
0xba: {  	[tilespmem:$0x80] =	vst @!p2 v4;
	s2 =	sadd.s32 @!p1 $0x90, s9  }
0xbb: {  	[spmem:s3] =	stream.linear.scatter @!p1 [tilespmem:s2], [sflag:$0x1], $0x1, $0x38;
	[tilespmem:$0x11A60] =	vst v63  }
0xbc: {  	_ =	swait.ge @!p1 [sflag:s0], $0x1  }
0xbd: {  	[sflag:s0] =	ssyncset.done @!p1 $0x0  }
0xbe: {  	s2 =	simm.s32 @!p1 $0x80;
	[sflag:s0] =	ssyncadd.s32 @!p1 $0xFFFFFFFF  }
0xbf: {  	[spmem:s13] =	stream.linear.scatter @!p1 [tilespmem:s2], [sflag:$0x1], $0x1, $0x38;
	[tilespmem:$0x11A60] =	vst v63  }
0xc0: {  	_ =	swait.ge @!p1 [sflag:s0], $0x1  }
0xc1: {  	[sflag:s0] =	ssyncset.done @!p1 $0x0  }
0xc2: {  	[sflag:s0] =	ssyncadd.s32 @!p1 $0xFFFFFFFF;
	(ifvalue) =	ssetifvalue $0xFFFFFFFF;
	v4 =	vld [tilespmem:s25+$0x10];
	_ =	sdelay $0x3  }
.Ltmp6:
0xc3: {  	_ = 	snop;
	(pc) =	sbr.rel .LBB2_9-.Ltmp6, $3  }
0xc4: {  	_ =	sdelay $0x1  }
0xc5: {  	(ifvalue) =	ssetifvalue $0xFFFFFFFF  }
0xc6: {  	[hbm4b:s1+s16] =	stream.indirect_vreg.scatter [tilespmem:s26], [sflag:$0x9], $0x1, v4, vm0, $0x4038;
	[tilespmem:$0x11A60] =	vst v63  }
.LBB2_10:
0xc7: {  	_ =	sfence.sel $0x180000  }
0xc8: {  	s0 =	simm.s32 $0x7;
	[bflag:$0x0] =	sbarrier.arrive $0xFFFF  }
0xc9: {  	s26 =	simm.s32 $0x8;
	[sflag:s0] =	ssyncpa.u1 $0x1  }
0xca: {  	s28 =	simm.s32 $0x9;
	[sflag:s26] =	ssyncpa.u1 $0x1  }
0xcb: {  	[sflag:s28] =	ssyncpa.u1 $0x1  }
0xcc: {  	_ =	sfence.stream.spmem  }
0xcd: {  	s29 =	simm.s32 $0x3;
	[bflag:$0x0] =	sbarrier.arrive $0xFFFF  }
0xce: {  	s30 =	simm.s32 $0x4;
	[sflag:s29] =	ssyncpa.u1 $0x1  }
0xcf: {  	s31 =	simm.s32 $0x3C;
	s2 =	stileid.u32;
	[sflag:s30] =	ssyncpa.u1 $0x1  }
0xd0: {  	p0 =	sne.s32 s2, $0x0;
	[sflag:s31] =	ssyncpa.u1 $0x1  }
0xd1: {  	s0 =	simm.s32 @p0 $0x1;
	_ =	sfence @p0  }
0xd2: {  	[sflag:s0] =	ssyncpa.u1 @p0 $0x1;
	s0 =	simm.s32 @p0 $0x2  }
0xd3: {  	[sflag:s0] =	ssyncpa.u1 @p0 $0x1  }
0xd4: {  	_ =	strace @p0 $0x90000047  }
0xd5: {  	[bflag:$0x2] =	sbarrier.arrive @p0 $0xFFFF  }
0xd6: {  	_ =	shalt @p0  }
.LBB2_11:
0xd7: {  	_ =	sfence.stream.spmem;
	s0 =	simm.s32 $0x5  }
0xd8: {  	s2 =	simm.s32 $0x80;
	s3 =	simm.s32 $0xC0;
	[sflag:s0] =	ssyncpa.u1 $0x0  }
0xd9: {  	[tilespmem:s3], [sflag:$0x5] =	stream.linear.gather [spmem:s2], $0x20, $0x38;
	[tilespmem:$0x11A60] =	vst v63  }
0xda: {  	s30 =	simm.s32 $0xE0;
	s2 =	simm.s32 $0x0  }
0xdb: {  	[tilespmem:s30], [sflag:$0x5] =	stream.linear.gather [spmem:s2], $0x20, $0x38;
	[tilespmem:$0x11A60] =	vst v63  }
.Ltmp7:
0xdc: {  	_ = 	snop;
	(pc) =	sbr.rel .LBB2_12-.Ltmp7, $4  }
0xdd: {  	_ =	swait.ge [sflag:s0], $0x40  }
0xde: {  	[sflag:s0] =	ssyncset.done $0x0  }
0xdf: {  	s31 =	simm.s32 $0x6;
	[sflag:s0] =	ssyncadd.s32 $0xFFFFFFC0  }
0xe0: {  	s3 =	simm.s32 $0x0;
	[sflag:s31] =	ssyncpa.u1 $0x0  }
.LBB2_17:
0xe1: {  	p0 =	sgt.u32 s4, $0x4FFF  }
0xe2: {  	s0 =	sshrl.u32 @!p0 s4, $0x3  }
0xe3: {  	s4 =	sand.u32 @!p0 $0x7, s4;
	s5 =	simm.s32 @!p0 $0xB0;
	s0 =	sadd.s32 @!p0 s1, s0  }
0xe4: {  	[tilespmem:s5], [sflag:$0x6] =	stream.linear.gather @!p0 [hbm4b:s0+s4], $0x1, $0x38;
	[tilespmem:$0x11A60] =	vst v63  }
0xe5: {  	s0 =	simm.s32 @!p0 $0x6  }
0xe6: {  	_ =	swait.ge @!p0 [sflag:s0], $0x1  }
0xe7: {  	[sflag:s0] =	ssyncset.done @!p0 $0x0  }
0xe8: {  	[sflag:s0] =	ssyncadd.s32 @!p0 $0xFFFFFFFF  }
0xe9: {  	v1 =	vld.msk @!p0 [tilespmem:$0xB0], $0x1  }
0xea: {  	v2 =	vld.msk @!p0 [tilespmem:s3+$0xE0], $0x1;
	_ =	sdelay $0x4  }
0xeb: {  	v1 =	vmax.f32 @!p0 v2, v1  }
0xec: {  	[tilespmem:s3+$0xE0] =	vst.msk @!p0 $0x1, v1  }
0xed: {  	[tilespmem:s2+$0xC0] =	vst.msk $0x1, v0  }
0xee: {  	v0 =	vld.msk [tilespmem:s3+$0xE0], $0x1;
	_ =	sdelay $0x4  }
0xef: {  	[tilespmem:s2+$0xE0] =	vst.msk $0x1, v0;
	s2 =	sadd.s32 $0x1, s2  }
.LBB2_19:
0xf0: {  	s3 =	sadd.s32 $0x1, s3  }
0xf1: {  	p0 =	sne.s32 s3, $0x20  }
.Ltmp8:
0xf2: {  	_ = 	snop;
	(pc) =	sbr.rel @!p0 .LBB2_20-.Ltmp8, $1  }
0xf3: {  	_ =	sdelay $0x3  }
.LBB2_12:
0xf4: {  	v0 =	vld.msk [tilespmem:s3+$0xC0], $0x1;
	_ =	sdelay $0x4  }
0xf5: {  	(v2sf) =	vpush v0, $0x0;
	_ =	sdelay $0xe  }
0xf6: {  	s4 =	spop (v2sf)  }
0xf7: {  	p0 =	seq.s32 s4, $0xFFFFFFFF  }
.Ltmp9:
0xf8: {  	_ = 	snop;
	(pc) =	sbr.rel @p0 .LBB2_19-.Ltmp9, $1  }
0xf9: {  	_ =	sdelay $0x3  }
0xfa: {  	p0 =	slt.s32 s2, $0x1  }
.Ltmp10:
0xfb: {  	_ = 	snop;
	(pc) =	sbr.rel @p0 .LBB2_17-.Ltmp10, $1  }
0xfc: {  	_ =	sdelay $0x3  }
0xfd: {  	s0 =	simm.s32 $0xC0;
	p0 =	por $0x0, $0x0  }
0xfe: {  	v1 =	vld.msk @!p0 [tilespmem:s0+$0x0], $0x1;
	_ =	sdelay $0x4  }
0xff: {  	(v2sf) =	vpush @!p0 v1, $0x0;
	_ =	sdelay $0xd  }
0x100: {  	p2 =	sne.s32 s2, $0x1  }
.Ltmp11:
0x101: {  	s5 =	spop @!p0 (v2sf);
	(pc) =	sbr.rel @!p2 .LBB2_16-.Ltmp11, $4  }
0x102: {  	p1 =	seq.s32 @!p0 s4, s5  }
0x103: {  	s5 =	simm.s32 $0x0;
	p1 =	por !p1, p0  }
0x104: {  	s7 =	simm.s32 $0xFFFFFFFF;
	s5 =	simm.s32 @p1 $0xFFFFFFFF  }
0x105: {  	s6 =	simm.s32 $0x1;
	s5 =	smov.u32 @p0 s7  }
.LBB2_15:
0x106: {  	s7 =	smov.u32 s5;
	p0 =	sne.s32 s5, $0xFFFFFFFF  }
0x107: {  	s0 =	sadd.s32 $0x1, s0;
	s5 =	smov.u32 s6;
	s6 =	sadd.s32 $0x1, s6  }
0x108: {  	p1 =	sne.s32 s2, s6;
	v1 =	vld.msk @!p0 [tilespmem:s0+$0x0], $0x1;
	_ =	sdelay $0x4  }
0x109: {  	(v2sf) =	vpush @!p0 v1, $0x0;
	_ =	sdelay $0xe  }
.Ltmp12:
0x10a: {  	s8 =	spop @!p0 (v2sf);
	(pc) =	sbr.rel @p1 .LBB2_15-.Ltmp12, $4  }
0x10b: {  	p2 =	seq.s32 @!p0 s4, s8  }
0x10c: {  	p2 =	por !p2, p0  }
0x10d: {  	s5 =	simm.s32 @p2 $0xFFFFFFFF  }
0x10e: {  	s5 =	smov.u32 @p0 s7  }
.LBB2_16:
0x10f: {  	p0 =	sne.s32 s5, $0xFFFFFFFF  }
.Ltmp13:
0x110: {  	_ = 	snop;
	(pc) =	sbr.rel @!p0 .LBB2_17-.Ltmp13, $1  }
0x111: {  	_ =	sdelay $0x3  }
0x112: {  	v0 =	vld.msk [tilespmem:s3+$0xE0], $0x1  }
0x113: {  	v1 =	vld.msk [tilespmem:s5+$0xE0], $0x1;
	_ =	sdelay $0x1  }
.Ltmp14:
0x114: {  	_ = 	snop;
	(pc) =	sbr.rel .LBB2_19-.Ltmp14, $3  }
0x115: {  	_ =	sdelay $0x1  }
0x116: {  	v0 =	vmax.f32 v1, v0  }
0x117: {  	[tilespmem:s5+$0xE0] =	vst.msk $0x1, v0  }
.LBB2_20:
0x118: {  	p0 =	slt.s32 s2, $0x1  }
.Ltmp15:
0x119: {  	_ = 	snop;
	(pc) =	sbr.rel @p0 .LBB2_24-.Ltmp15, $3  }
0x11a: {  	_ =	sdelay $0x1  }
0x11b: {  	s0 =	simm.s32 $0x6  }
0x11c: {  	s3 =	simm.s32 $0x0;
	[sflag:s0] =	ssyncpa.u1 $0x1  }
0x11d: {  	s0 =	simm.s32 $0xC0  }
0x11e: {  	v0 =	vld.msk [tilespmem:s0+$0x0], $0x1;
	_ =	sdelay $0x4  }
0x11f: {  	(v2sf) =	vpush v0, $0x0;
	_ =	sdelay $0xe  }
0x120: {  	s2 =	sadd.s32 $0xFFFFFFFF, s2;
	s4 =	spop (v2sf)  }
0x121: {  	p1 =	sne.s32 s2, $0x0;
	p0 =	sgt.u32 s4, $0x4FFF  }
.Ltmp16:
0x122: {  	s5 =	sshrl.u32 @!p0 s4, $0x3;
	(pc) =	sbr.rel @!p1 .LBB2_23-.Ltmp16, $4  }
0x123: {  	s0 =	simm.s32 $0xE0;
	s4 =	sand.u32 @!p0 $0x7, s4;
	s5 =	sadd.s32 @!p0 s1, s5  }
0x124: {  	[hbm4b:s5+s4] =	stream.linear.scatter @!p0 [tilespmem:s0], [sflag:$0x5], $0x1, $0x38;
	[tilespmem:$0x11A60] =	vst v63  }
0x125: {  	s5 =	simm.s32 $0x0  }
0x126: {  	s4 =	simm.s32 $0xC1;
	s5 =	simm.s32 @!p0 $0x4  }
.LBB2_22:
0x127: {  	v0 =	vld.msk [tilespmem:s4+$0x0], $0x1;
	s2 =	sadd.s32 $0xFFFFFFFF, s2;
	s3 =	sadd.s32 s3, s5  }
0x128: {  	p0 =	sne.s32 s2, $0x0;
	_ =	sdelay $0x3  }
0x129: {  	(v2sf) =	vpush v0, $0x0;
	_ =	sdelay $0xe  }
.Ltmp17:
0x12a: {  	s6 =	spop (v2sf);
	(pc) =	sbr.rel @p0 .LBB2_22-.Ltmp17, $4  }
0x12b: {  	s5 =	simm.s32 $0x0;
	p1 =	sgt.u32 s6, $0x4FFF  }
0x12c: {  	s0 =	sadd.s32 $0x1, s0;
	s5 =	simm.s32 @!p1 $0x4;
	s7 =	sshrl.u32 @!p1 s6, $0x3  }
0x12d: {  	s4 =	sadd.s32 $0x1, s4;
	s6 =	sand.u32 @!p1 $0x7, s6;
	s7 =	sadd.s32 @!p1 s1, s7  }
0x12e: {  	[hbm4b:s7+s6] =	stream.linear.scatter @!p1 [tilespmem:s0], [sflag:$0x5], $0x1, $0x38;
	[tilespmem:$0x11A60] =	vst v63  }
.LBB2_23:
0x12f: {  	s0 =	sadd.s32 s3, s5  }
0x130: {  	s3 =	sshrl.u32 s0, $0x2  }
.LBB2_24:
0x131: {  	s0 =	simm.s32 $0x5  }
0x132: {  	_ =	swait.ge [sflag:s0], s3  }
0x133: {  	s1 =	ssub.s32 $0x0, s3;
	[sflag:s0] =	ssyncset.done $0x0  }
0x134: {  	[sflag:s0] =	ssyncadd.s32 s1  }
0x135: {  	[sflag:s0] =	ssyncpa.u1 $0x1  }
0x136: {  	s29 =	simm.s32 $0x1;
	_ =	sfence  }
0x137: {  	s30 =	simm.s32 $0x2;
	[sflag:s29] =	ssyncpa.u1 $0x1  }
0x138: {  	[sflag:s30] =	ssyncpa.u1 $0x1  }
0x139: {  	_ =	strace $0x90000047  }
0x13a: {  	[bflag:$0x2] =	sbarrier.arrive $0xFFFF  }
0x13b: {  	s31 =	rddreg [dreg:$0x1]  }
0x13c: {  	s0 =	sadd.s32 $0x100000, s31  }
0x13d: {  	[sflag:s0] =	ssyncadd.tile.s32 $0x1;
	_ =	shalt  }
.Lfunc_end2:
_tile_overlayer_lowered:
.L_overlay_start_2:
0x13e: {  	(tag) =	ssettag $0x2  }
0x13f: {  	s0 =	rddreg [dreg:$0x0];
	s2 =	stileid.u32  }
0x140: {  	s1 =	rddreg [dreg:$0x1];
	p0 =	sne.s32 s2, $0x0  }
0x141: {  	s3 =	rddreg [dreg:$0x2];
	[bflag:$0x3] =	sbarrier.arrive $0xFFFF;
	s2 =	simm.s32 @!p0 $0x1C01  }
0x142: {  	[timem:s3], [sflag:s2] =	dma.local @!p0 [hbm:s0], s1  }
0x143: {  	s0 =	simm.s32 @!p0 $0x1  }
0x144: {  	_ =	swait.ge @!p0 [sflag:s0], s1  }
0x145: {  	s1 =	ssub.s32 @!p0 $0x0, s1;
	[sflag:s0] =	ssyncset.done @!p0 $0x0  }
0x146: {  	[sflag:s0] =	ssyncadd.s32 @!p0 s1  }
0x147: {  	[bflag:$0x3] =	sbarrier.arrive $0xFFFF  }
0x148: {  	_ =	shalt  }

</sc_bundles>
